<compile_context>
chip_gen: v7x
topology: tpu7x:2x2x1
jax: 0.10.2.dev20260603
libtpu: 0.0.44.dev20260713+nightly
codegen_flags: <defaults>
</compile_context>

<pallas_src>
import jax
import jax.numpy as jnp
from jax import lax
from jax.experimental import pallas as pl
from jax.experimental.pallas import tpu as pltpu
from jax.experimental.pallas import tpu_sc as plsc

B = 16384
L = 200
D = 16
V = 1000000
NW = 32
ROWS_PER_W = B // NW
CHUNK = 16
NCHUNK = ROWS_PER_W // CHUNK
IDX_PER_CHUNK = CHUNK * L
GATHER_W = 128
NGATHER = IDX_PER_CHUNK // GATHER_W

PROJ_BLK = 4096


def _project_body(tt_ref, w_ref, t_ref):
    acc = jnp.zeros((PROJ_BLK,), jnp.float32)
    for k in range(D):
        acc = acc + tt_ref[k, :] * w_ref[0, k]
    t_ref[...] = acc


def _project(tt, wv):
    return pl.pallas_call(
        _project_body,
        out_shape=jax.ShapeDtypeStruct((V,), jnp.float32),
        grid=(V // PROJ_BLK,),
        in_specs=[
            pl.BlockSpec((D, PROJ_BLK), lambda i: (0, i)),
            pl.BlockSpec((1, D), lambda i: (0, 0)),
        ],
        out_specs=pl.BlockSpec((PROJ_BLK,), lambda i: (i,)),
    )(tt, wv)


def _body(xf, t, bv, out, idx0_v, idx1_v, val0_v, val1_v, b_v, o16_v, gs0, gs1):
    wid = lax.axis_index("s") * 2 + lax.axis_index("c")

    pltpu.sync_copy(bv, b_v)

    lane = lax.iota(jnp.int32, D)

    def fire(c, idx_v, val_v, sem):
        pltpu.sync_copy(xf.at[pl.ds(c * IDX_PER_CHUNK, IDX_PER_CHUNK)], idx_v)

        def go(e, _):
            pltpu.async_copy(
                t.at[idx_v.at[pl.ds(e * L, GATHER_W)]],
                val_v.at[e, pl.ds(0, GATHER_W)],
                sem,
            )
            pltpu.async_copy(
                t.at[idx_v.at[pl.ds(e * L + GATHER_W, L - GATHER_W)]],
                val_v.at[e, pl.ds(GATHER_W, L - GATHER_W)],
                sem,
            )
            return 0

        lax.fori_loop(0, CHUNK, go, 0)

    def drain(idx_v, val_v, sem):
        def go(e, _):
            pltpu.make_async_copy(
                t.at[idx_v.at[pl.ds(e * L, GATHER_W)]],
                val_v.at[e, pl.ds(0, GATHER_W)],
                sem,
            ).wait()
            pltpu.make_async_copy(
                t.at[idx_v.at[pl.ds(e * L + GATHER_W, L - GATHER_W)]],
                val_v.at[e, pl.ds(GATHER_W, L - GATHER_W)],
                sem,
            ).wait()
            return 0

        lax.fori_loop(0, CHUNK, go, 0)

    def compute(c, vp):

        tail_mask = lane < jnp.int32(L - (L // D) * D)

        def elem_body(e, sel):
            v0 = jnp.zeros((D,), jnp.float32)
            v1 = jnp.zeros((D,), jnp.float32)
            for k in range(L // D):
                g = vp[e, pl.ds(k * D, D)]
                if k % 2 == 0:
                    v0 = v0 + g
                else:
                    v1 = v1 + g
            tail = vp[e, pl.ds((L // D) * D, D)]
            v = v0 + v1 + jnp.where(tail_mask, tail, 0.0)
            dnums = lax.GatherDimensionNumbers(
                offset_dims=(), collapsed_slice_dims=(0,), start_index_map=(0,)
            )
            for sh in (8, 4, 2, 1):
                v = v + lax.gather(
                    v,
                    (lane ^ sh)[:, None],
                    dnums,
                    (1,),
                    mode=lax.GatherScatterMode.PROMISE_IN_BOUNDS,
                )
            return jnp.where(lane == e, v, sel)

        sel = lax.fori_loop(0, CHUNK, elem_body, jnp.zeros((D,), jnp.float32))
        zval = sel + b_v[...]
        sig = 1.0 / (1.0 + jnp.exp(-zval))
        r = (sig * 10000.0 + 0.5).astype(jnp.int32).astype(jnp.float32) * 1e-4
        o16_v[...] = r
        pltpu.sync_copy(o16_v, out.at[pl.ds(c * CHUNK, CHUNK)])

    c0 = wid * NCHUNK
    fire(c0, idx0_v, val0_v, gs0)

    def pair(k, _):
        ca = c0 + 2 * k
        fire(ca + 1, idx1_v, val1_v, gs1)
        drain(idx0_v, val0_v, gs0)
        compute(ca, val0_v)

        @pl.when(k < NCHUNK // 2 - 1)
        def _prefetch():
            fire(ca + 2, idx0_v, val0_v, gs0)

        drain(idx1_v, val1_v, gs1)
        compute(ca + 1, val1_v)
        return 0

    lax.fori_loop(0, NCHUNK // 2, pair, 0)


@jax.jit
def _run(xf, table, W, b):
    tt = table.T
    wv = (W / jnp.float32(L)).astype(jnp.float32)
    t = _project(tt, wv)
    bv = jnp.broadcast_to(b.astype(jnp.float32), (D,))
    mesh = plsc.VectorSubcoreMesh(core_axis_name="c", subcore_axis_name="s")
    return pl.kernel(
        _body,
        out_type=jax.ShapeDtypeStruct((B,), jnp.float32),
        mesh=mesh,
        scratch_types=[
            pltpu.VMEM((IDX_PER_CHUNK,), jnp.int32),
            pltpu.VMEM((IDX_PER_CHUNK,), jnp.int32),
            pltpu.VMEM((CHUNK, 2 * GATHER_W), jnp.float32),
            pltpu.VMEM((CHUNK, 2 * GATHER_W), jnp.float32),
            pltpu.VMEM((D,), jnp.float32),
            pltpu.VMEM((D,), jnp.float32),
            pltpu.SemaphoreType.DMA,
            pltpu.SemaphoreType.DMA,
        ],
        compiler_params=pltpu.CompilerParams(use_tc_tiling_on_sc=False),
    )(xf, t, bv)


def kernel(x, table, W, b):
    xf = x.astype(jnp.int32).reshape(B * L)
    out = _run(xf, table, W, b)
    return out.reshape(B, 1)

# --- scband reference (transcript-rebuilt; emitter-appended) ---
"""Pipeline reference for scband-solution-11802570129442 (READ-ONLY COPY).

The authoritative reference and input builder live on the scoring server;
editing this copy changes nothing except your own understanding.
"""

import jax, jax.numpy as jnp
import numpy as np


def setup_inputs(seed: int = 0) -> dict:
    key = jax.random.key(seed)
    k1, k2, k3, k4 = jax.random.split(key, 4)
    x = jax.random.randint(k1, (16384, 200), 0, 1000000)
    table = jax.random.normal(k2, (1000000, 16), dtype=jnp.float32)
    W = jax.random.normal(k3, (1, 16), dtype=jnp.float32) * 0.1
    b = jax.random.normal(k4, (1,), dtype=jnp.float32) * 0.1
    return {"x": x, "table": table, "W": W, "b": b}


def reference(x, table, W, b):
    # nn.Embedding lookup -> gather rows
    embeddings = jnp.take(table, x, axis=0)          # [B, L, 16]
    averaged = jnp.mean(embeddings, axis=1)          # [B, 16]
    projected = averaged @ W.T + b                   # [B, 1]
    return jnp.round(jax.nn.sigmoid(projected), decimals=4)

if __name__ == "__main__":
    import jax
    _d = setup_inputs()
    print(jax.jit(kernel)(*tuple(_d.values())))

</pallas_src>

<mosaic_0001>
#map = affine_map<(d0, d1) -> (0)>
module attributes {stable_mosaic.version = 14 : i64} {
  func.func @_body(%arg0: i32, %arg1: i32, %arg2: memref<3276800xi32, #tpu.memory_space<hbm>>, %arg3: memref<1000000xf32, #tpu.memory_space<hbm>>, %arg4: memref<16xf32, #tpu.memory_space<hbm>>, %arg5: memref<16384xf32, #tpu.memory_space<hbm>>, %arg6: memref<3200xi32, #tpu.memory_space<vmem>>, %arg7: memref<3200xi32, #tpu.memory_space<vmem>>, %arg8: memref<16x256xf32, #tpu.memory_space<vmem>>, %arg9: memref<16x256xf32, #tpu.memory_space<vmem>>, %arg10: memref<16xf32, #tpu.memory_space<vmem>>, %arg11: memref<16xf32, #tpu.memory_space<vmem>>, %arg12: memref<!tpu.dma_semaphore, #tpu.memory_space<semaphore_mem>>, %arg13: memref<!tpu.dma_semaphore, #tpu.memory_space<semaphore_mem>>) attributes {dimension_semantics = [#tpu.dimension_semantics<core_parallel>, #tpu.dimension_semantics<subcore_parallel>], iteration_bounds = array<i64: 2, 16>, scalar_prefetch = 0 : i64, scratch_operands = 8 : i64, tpu.core_type = #tpu.core_type<sc_vector_subcore>, window_params = [{transform_indices = #map}, {transform_indices = #map}, {transform_indices = #map}, {transform_indices = #map}]} {
    %mul3A = arith.constant 2 : i32
    %mul3A_0 = arith.muli %arg1, %mul3A : i32
    %add3A = arith.addi %mul3A_0, %arg0 : i32
    "tpu.region"() ({
      %run_scoped3A = tpu.sem_alloc : memref<!tpu.dma_semaphore, #tpu.memory_space<semaphore_mem>>
      tpu.enqueue_dma source(%arg4 : memref<16xf32, #tpu.memory_space<hbm>>) target(%arg10 : memref<16xf32, #tpu.memory_space<vmem>>) target_semaphore(%run_scoped3A : memref<!tpu.dma_semaphore, #tpu.memory_space<semaphore_mem>>)
      tpu.wait_dma2 semaphore(%run_scoped3A : memref<!tpu.dma_semaphore, #tpu.memory_space<semaphore_mem>>) src(%arg4 : memref<16xf32, #tpu.memory_space<hbm>>) dst(%arg10 : memref<16xf32, #tpu.memory_space<vmem>>)
      tpu.yield
    }) : () -> ()
    %iota3A = tpu.iota {dimensions = array<i32: 0>} : vector<16xi32>
    %mul3A_1 = arith.constant 32 : i32
    %mul3A_2 = arith.muli %add3A, %mul3A_1 : i32
    %mul3A_3 = arith.constant 3200 : i32
    %mul3A_4 = arith.muli %mul3A_2, %mul3A_3 : i32
    "tpu.region"() ({
      %run_scoped3A = tpu.sem_alloc : memref<!tpu.dma_semaphore, #tpu.memory_space<semaphore_mem>>
      %dma_start3A = tpu.memref_slice %arg2[%mul3A_4] : memref<3276800xi32, #tpu.memory_space<hbm>> -> memref<3200xi32, #tpu.memory_space<hbm>>
      %dma_start3A_18 = tpu.memref_slice %arg2[%mul3A_4] : memref<3276800xi32, #tpu.memory_space<hbm>> -> memref<3200xi32, #tpu.memory_space<hbm>>
      tpu.enqueue_dma source(%dma_start3A_18 : memref<3200xi32, #tpu.memory_space<hbm>>) target(%arg6 : memref<3200xi32, #tpu.memory_space<vmem>>) target_semaphore(%run_scoped3A : memref<!tpu.dma_semaphore, #tpu.memory_space<semaphore_mem>>)
      %dma_wait3A = tpu.memref_slice %arg2[%mul3A_4] : memref<3276800xi32, #tpu.memory_space<hbm>> -> memref<3200xi32, #tpu.memory_space<hbm>>
      %dma_wait3A_19 = tpu.memref_slice %arg2[%mul3A_4] : memref<3276800xi32, #tpu.memory_space<hbm>> -> memref<3200xi32, #tpu.memory_space<hbm>>
      tpu.wait_dma2 semaphore(%run_scoped3A : memref<!tpu.dma_semaphore, #tpu.memory_space<semaphore_mem>>) src(%dma_wait3A_19 : memref<3200xi32, #tpu.memory_space<hbm>>) dst(%arg6 : memref<3200xi32, #tpu.memory_space<vmem>>)
      tpu.yield
    }) : () -> ()
    %scan3A = arith.constant 0 : i32
    %scan3A_5 = arith.constant 0 : i32
    %scan3A_6 = arith.constant 16 : i32
    %scan3A_7 = arith.addi %scan3A_5, %scan3A_6 : i32
    %scan3A_8 = arith.constant 1 : i32
    %scan3A_9 = scf.for %scan3A_18 = %scan3A_5 to %scan3A_7 step %scan3A_8 iter_args(%scan3A_19 = %scan3A) -> (i32)  : i32 {
      %mul3A_20 = arith.constant 200 : i32
      %mul3A_21 = arith.muli %scan3A_18, %mul3A_20 : i32
      %dma_start3A = arith.constant 0 : i32
      %dma_start3A_22 = tpu.memref_slice %arg8[%scan3A_18, %dma_start3A] : memref<16x256xf32, #tpu.memory_space<vmem>> -> memref<1x128xf32, #tpu.memory_space<vmem>>
      %dma_start3A_23 = tpu.memref_squeeze %dma_start3A_22 : memref<1x128xf32, #tpu.memory_space<vmem>> -> memref<128xf32, #tpu.memory_space<vmem>>
      %dma_start3A_24 = tpu.memref_slice %arg6[%mul3A_21] : memref<3200xi32, #tpu.memory_space<vmem>> -> memref<128xi32, #tpu.memory_space<vmem>>
      %dma_start3A_25 = arith.constant 0 : i32
      %dma_start3A_26 = tpu.memref_slice %arg3[%dma_start3A_25] : memref<1000000xf32, #tpu.memory_space<hbm>> -> memref<1000000xf32, #tpu.memory_space<hbm>>
      tpu.enqueue_indirect_dma source(%dma_start3A_26 : memref<1000000xf32, #tpu.memory_space<hbm>>) target(%dma_start3A_23 : memref<128xf32, #tpu.memory_space<vmem>>) offsets(%dma_start3A_24 : memref<128xi32, #tpu.memory_space<vmem>>) semaphore(%arg12 : memref<!tpu.dma_semaphore, #tpu.memory_space<semaphore_mem>>)
      %mul3A_27 = arith.constant 200 : i32
      %mul3A_28 = arith.muli %scan3A_18, %mul3A_27 : i32
      %add3A_29 = arith.constant 128 : i32
      %add3A_30 = arith.addi %mul3A_28, %add3A_29 : i32
      %dma_start3A_31 = arith.constant 128 : i32
      %dma_start3A_32 = tpu.memref_slice %arg8[%scan3A_18, %dma_start3A_31] : memref<16x256xf32, #tpu.memory_space<vmem>> -> memref<1x72xf32, #tpu.memory_space<vmem>>
      %dma_start3A_33 = tpu.memref_squeeze %dma_start3A_32 : memref<1x72xf32, #tpu.memory_space<vmem>> -> memref<72xf32, #tpu.memory_space<vmem>>
      %dma_start3A_34 = tpu.memref_slice %arg6[%add3A_30] : memref<3200xi32, #tpu.memory_space<vmem>> -> memref<72xi32, #tpu.memory_space<vmem>>
      %dma_start3A_35 = arith.constant 0 : i32
      %dma_start3A_36 = tpu.memref_slice %arg3[%dma_start3A_35] : memref<1000000xf32, #tpu.memory_space<hbm>> -> memref<1000000xf32, #tpu.memory_space<hbm>>
      tpu.enqueue_indirect_dma source(%dma_start3A_36 : memref<1000000xf32, #tpu.memory_space<hbm>>) target(%dma_start3A_33 : memref<72xf32, #tpu.memory_space<vmem>>) offsets(%dma_start3A_34 : memref<72xi32, #tpu.memory_space<vmem>>) semaphore(%arg12 : memref<!tpu.dma_semaphore, #tpu.memory_space<semaphore_mem>>)
      %scan3A_37 = arith.constant 0 : i32
      scf.yield %scan3A_37 : i32
    }
    %scan3A_10 = arith.constant 16 : i32
    %scan3A_11 = arith.constant 0 : i32
    %scan3A_12 = arith.constant 0 : i32
    %scan3A_13 = arith.constant 16 : i32
    %scan3A_14 = arith.addi %scan3A_12, %scan3A_13 : i32
    %scan3A_15 = arith.constant 1 : i32
    %scan3A_16 = scf.for %scan3A_18 = %scan3A_12 to %scan3A_14 step %scan3A_15 iter_args(%scan3A_19 = %scan3A_11) -> (i32)  : i32 {
      %mul3A_20 = arith.constant 2 : i32
      %mul3A_21 = arith.muli %mul3A_20, %scan3A_18 : i32
      %add3A_22 = arith.addi %mul3A_2, %mul3A_21 : i32
      %add3A_23 = arith.constant 1 : i32
      %add3A_24 = arith.addi %add3A_22, %add3A_23 : i32
      %mul3A_25 = arith.constant 3200 : i32
      %mul3A_26 = arith.muli %add3A_24, %mul3A_25 : i32
      "tpu.region"() ({
        %run_scoped3A = tpu.sem_alloc : memref<!tpu.dma_semaphore, #tpu.memory_space<semaphore_mem>>
        %dma_start3A = tpu.memref_slice %arg2[%mul3A_26] : memref<3276800xi32, #tpu.memory_space<hbm>> -> memref<3200xi32, #tpu.memory_space<hbm>>
        %dma_start3A_131 = tpu.memref_slice %arg2[%mul3A_26] : memref<3276800xi32, #tpu.memory_space<hbm>> -> memref<3200xi32, #tpu.memory_space<hbm>>
        tpu.enqueue_dma source(%dma_start3A_131 : memref<3200xi32, #tpu.memory_space<hbm>>) target(%arg7 : memref<3200xi32, #tpu.memory_space<vmem>>) target_semaphore(%run_scoped3A : memref<!tpu.dma_semaphore, #tpu.memory_space<semaphore_mem>>)
        %dma_wait3A = tpu.memref_slice %arg2[%mul3A_26] : memref<3276800xi32, #tpu.memory_space<hbm>> -> memref<3200xi32, #tpu.memory_space<hbm>>
        %dma_wait3A_132 = tpu.memref_slice %arg2[%mul3A_26] : memref<3276800xi32, #tpu.memory_space<hbm>> -> memref<3200xi32, #tpu.memory_space<hbm>>
        tpu.wait_dma2 semaphore(%run_scoped3A : memref<!tpu.dma_semaphore, #tpu.memory_space<semaphore_mem>>) src(%dma_wait3A_132 : memref<3200xi32, #tpu.memory_space<hbm>>) dst(%arg7 : memref<3200xi32, #tpu.memory_space<vmem>>)
        tpu.yield
      }) : () -> ()
      %scan3A_27 = arith.constant 0 : i32
      %scan3A_28 = arith.constant 0 : i32
      %scan3A_29 = arith.constant 16 : i32
      %scan3A_30 = arith.addi %scan3A_28, %scan3A_29 : i32
      %scan3A_31 = arith.constant 1 : i32
      %scan3A_32 = scf.for %scan3A_131 = %scan3A_28 to %scan3A_30 step %scan3A_31 iter_args(%scan3A_132 = %scan3A_27) -> (i32)  : i32 {
        %mul3A_133 = arith.constant 200 : i32
        %mul3A_134 = arith.muli %scan3A_131, %mul3A_133 : i32
        %dma_start3A = arith.constant 0 : i32
        %dma_start3A_135 = tpu.memref_slice %arg9[%scan3A_131, %dma_start3A] : memref<16x256xf32, #tpu.memory_space<vmem>> -> memref<1x128xf32, #tpu.memory_space<vmem>>
        %dma_start3A_136 = tpu.memref_squeeze %dma_start3A_135 : memref<1x128xf32, #tpu.memory_space<vmem>> -> memref<128xf32, #tpu.memory_space<vmem>>
        %dma_start3A_137 = tpu.memref_slice %arg7[%mul3A_134] : memref<3200xi32, #tpu.memory_space<vmem>> -> memref<128xi32, #tpu.memory_space<vmem>>
        %dma_start3A_138 = arith.constant 0 : i32
        %dma_start3A_139 = tpu.memref_slice %arg3[%dma_start3A_138] : memref<1000000xf32, #tpu.memory_space<hbm>> -> memref<1000000xf32, #tpu.memory_space<hbm>>
        tpu.enqueue_indirect_dma source(%dma_start3A_139 : memref<1000000xf32, #tpu.memory_space<hbm>>) target(%dma_start3A_136 : memref<128xf32, #tpu.memory_space<vmem>>) offsets(%dma_start3A_137 : memref<128xi32, #tpu.memory_space<vmem>>) semaphore(%arg13 : memref<!tpu.dma_semaphore, #tpu.memory_space<semaphore_mem>>)
        %mul3A_140 = arith.constant 200 : i32
        %mul3A_141 = arith.muli %scan3A_131, %mul3A_140 : i32
        %add3A_142 = arith.constant 128 : i32
        %add3A_143 = arith.addi %mul3A_141, %add3A_142 : i32
        %dma_start3A_144 = arith.constant 128 : i32
        %dma_start3A_145 = tpu.memref_slice %arg9[%scan3A_131, %dma_start3A_144] : memref<16x256xf32, #tpu.memory_space<vmem>> -> memref<1x72xf32, #tpu.memory_space<vmem>>
        %dma_start3A_146 = tpu.memref_squeeze %dma_start3A_145 : memref<1x72xf32, #tpu.memory_space<vmem>> -> memref<72xf32, #tpu.memory_space<vmem>>
        %dma_start3A_147 = tpu.memref_slice %arg7[%add3A_143] : memref<3200xi32, #tpu.memory_space<vmem>> -> memref<72xi32, #tpu.memory_space<vmem>>
        %dma_start3A_148 = arith.constant 0 : i32
        %dma_start3A_149 = tpu.memref_slice %arg3[%dma_start3A_148] : memref<1000000xf32, #tpu.memory_space<hbm>> -> memref<1000000xf32, #tpu.memory_space<hbm>>
        tpu.enqueue_indirect_dma source(%dma_start3A_149 : memref<1000000xf32, #tpu.memory_space<hbm>>) target(%dma_start3A_146 : memref<72xf32, #tpu.memory_space<vmem>>) offsets(%dma_start3A_147 : memref<72xi32, #tpu.memory_space<vmem>>) semaphore(%arg13 : memref<!tpu.dma_semaphore, #tpu.memory_space<semaphore_mem>>)
        %scan3A_150 = arith.constant 0 : i32
        scf.yield %scan3A_150 : i32
      }
      %scan3A_33 = arith.constant 16 : i32
      %scan3A_34 = arith.constant 0 : i32
      %scan3A_35 = arith.constant 0 : i32
      %scan3A_36 = arith.constant 16 : i32
      %scan3A_37 = arith.addi %scan3A_35, %scan3A_36 : i32
      %scan3A_38 = arith.constant 1 : i32
      %scan3A_39 = scf.for %scan3A_131 = %scan3A_35 to %scan3A_37 step %scan3A_38 iter_args(%scan3A_132 = %scan3A_34) -> (i32)  : i32 {
        %mul3A_133 = arith.constant 200 : i32
        %mul3A_134 = arith.muli %scan3A_131, %mul3A_133 : i32
        %dma_wait3A = arith.constant 0 : i32
        %dma_wait3A_135 = tpu.memref_slice %arg8[%scan3A_131, %dma_wait3A] : memref<16x256xf32, #tpu.memory_space<vmem>> -> memref<1x128xf32, #tpu.memory_space<vmem>>
        %dma_wait3A_136 = tpu.memref_squeeze %dma_wait3A_135 : memref<1x128xf32, #tpu.memory_space<vmem>> -> memref<128xf32, #tpu.memory_space<vmem>>
        %dma_wait3A_137 = tpu.memref_slice %arg6[%mul3A_134] : memref<3200xi32, #tpu.memory_space<vmem>> -> memref<128xi32, #tpu.memory_space<vmem>>
        %dma_wait3A_138 = arith.constant 0 : i32
        %dma_wait3A_139 = tpu.memref_slice %arg3[%dma_wait3A_138] : memref<1000000xf32, #tpu.memory_space<hbm>> -> memref<1000000xf32, #tpu.memory_space<hbm>>
        tpu.wait_indirect_dma semaphore(%arg12 : memref<!tpu.dma_semaphore, #tpu.memory_space<semaphore_mem>>) src(%dma_wait3A_139 : memref<1000000xf32, #tpu.memory_space<hbm>>) dst(%dma_wait3A_136 : memref<128xf32, #tpu.memory_space<vmem>>)
        %mul3A_140 = arith.constant 200 : i32
        %mul3A_141 = arith.muli %scan3A_131, %mul3A_140 : i32
        %add3A_142 = arith.constant 128 : i32
        %add3A_143 = arith.addi %mul3A_141, %add3A_142 : i32
        %dma_wait3A_144 = arith.constant 128 : i32
        %dma_wait3A_145 = tpu.memref_slice %arg8[%scan3A_131, %dma_wait3A_144] : memref<16x256xf32, #tpu.memory_space<vmem>> -> memref<1x72xf32, #tpu.memory_space<vmem>>
        %dma_wait3A_146 = tpu.memref_squeeze %dma_wait3A_145 : memref<1x72xf32, #tpu.memory_space<vmem>> -> memref<72xf32, #tpu.memory_space<vmem>>
        %dma_wait3A_147 = tpu.memref_slice %arg6[%add3A_143] : memref<3200xi32, #tpu.memory_space<vmem>> -> memref<72xi32, #tpu.memory_space<vmem>>
        %dma_wait3A_148 = arith.constant 0 : i32
        %dma_wait3A_149 = tpu.memref_slice %arg3[%dma_wait3A_148] : memref<1000000xf32, #tpu.memory_space<hbm>> -> memref<1000000xf32, #tpu.memory_space<hbm>>
        tpu.wait_indirect_dma semaphore(%arg12 : memref<!tpu.dma_semaphore, #tpu.memory_space<semaphore_mem>>) src(%dma_wait3A_149 : memref<1000000xf32, #tpu.memory_space<hbm>>) dst(%dma_wait3A_146 : memref<72xf32, #tpu.memory_space<vmem>>)
        %scan3A_150 = arith.constant 0 : i32
        scf.yield %scan3A_150 : i32
      }
      %scan3A_40 = arith.constant 16 : i32
      %lt3A = arith.constant 8 : i32
      %lt3A_41 = vector.broadcast %lt3A : i32 to vector<16xi32>
      %lt3A_42 = arith.cmpi slt, %iota3A, %lt3A_41 : vector<16xi32>
      %broadcast_in_dim3A = arith.constant 0.000000e+00 : f32
      %broadcast_in_dim3A_43 = vector.broadcast %broadcast_in_dim3A : f32 to vector<16xf32>
      %scan3A_44 = arith.constant 0 : i32
      %scan3A_45 = arith.constant 16 : i32
      %scan3A_46 = arith.addi %scan3A_44, %scan3A_45 : i32
      %scan3A_47 = arith.constant 1 : i32
      %scan3A_48 = scf.for %scan3A_131 = %scan3A_44 to %scan3A_46 step %scan3A_47 iter_args(%scan3A_132 = %broadcast_in_dim3A_43) -> (vector<16xf32>)  : i32 {
        %broadcast_in_dim3A_133 = arith.constant 0.000000e+00 : f32
        %broadcast_in_dim3A_134 = vector.broadcast %broadcast_in_dim3A_133 : f32 to vector<16xf32>
        %broadcast_in_dim3A_135 = arith.constant 0.000000e+00 : f32
        %broadcast_in_dim3A_136 = vector.broadcast %broadcast_in_dim3A_135 : f32 to vector<16xf32>
        %get3A_137 = arith.index_cast %scan3A_131 : i32 to index
        %get3A_138 = arith.constant 0 : index
        %get3A_139 = tpu.vector_load %arg8[%get3A_137, %get3A_138] {strides = array<i32>} : memref<16x256xf32, #tpu.memory_space<vmem>>, vector<1x16xf32>,
        %get3A_140 = vector.shape_cast %get3A_139 : vector<1x16xf32> to vector<16xf32>
        %add3A_141 = arith.addf %broadcast_in_dim3A_134, %get3A_140 : vector<16xf32>
        %get3A_142 = arith.index_cast %scan3A_131 : i32 to index
        %get3A_143 = arith.constant 16 : index
        %get3A_144 = tpu.vector_load %arg8[%get3A_142, %get3A_143] {strides = array<i32>} : memref<16x256xf32, #tpu.memory_space<vmem>>, vector<1x16xf32>,
        %get3A_145 = vector.shape_cast %get3A_144 : vector<1x16xf32> to vector<16xf32>
        %add3A_146 = arith.addf %broadcast_in_dim3A_136, %get3A_145 : vector<16xf32>
        %get3A_147 = arith.index_cast %scan3A_131 : i32 to index
        %get3A_148 = arith.constant 32 : index
        %get3A_149 = tpu.vector_load %arg8[%get3A_147, %get3A_148] {strides = array<i32>} : memref<16x256xf32, #tpu.memory_space<vmem>>, vector<1x16xf32>,
        %get3A_150 = vector.shape_cast %get3A_149 : vector<1x16xf32> to vector<16xf32>
        %add3A_151 = arith.addf %add3A_141, %get3A_150 : vector<16xf32>
        %get3A_152 = arith.index_cast %scan3A_131 : i32 to index
        %get3A_153 = arith.constant 48 : index
        %get3A_154 = tpu.vector_load %arg8[%get3A_152, %get3A_153] {strides = array<i32>} : memref<16x256xf32, #tpu.memory_space<vmem>>, vector<1x16xf32>,
        %get3A_155 = vector.shape_cast %get3A_154 : vector<1x16xf32> to vector<16xf32>
        %add3A_156 = arith.addf %add3A_146, %get3A_155 : vector<16xf32>
        %get3A_157 = arith.index_cast %scan3A_131 : i32 to index
        %get3A_158 = arith.constant 64 : index
        %get3A_159 = tpu.vector_load %arg8[%get3A_157, %get3A_158] {strides = array<i32>} : memref<16x256xf32, #tpu.memory_space<vmem>>, vector<1x16xf32>,
        %get3A_160 = vector.shape_cast %get3A_159 : vector<1x16xf32> to vector<16xf32>
        %add3A_161 = arith.addf %add3A_151, %get3A_160 : vector<16xf32>
        %get3A_162 = arith.index_cast %scan3A_131 : i32 to index
        %get3A_163 = arith.constant 80 : index
        %get3A_164 = tpu.vector_load %arg8[%get3A_162, %get3A_163] {strides = array<i32>} : memref<16x256xf32, #tpu.memory_space<vmem>>, vector<1x16xf32>,
        %get3A_165 = vector.shape_cast %get3A_164 : vector<1x16xf32> to vector<16xf32>
        %add3A_166 = arith.addf %add3A_156, %get3A_165 : vector<16xf32>
        %get3A_167 = arith.index_cast %scan3A_131 : i32 to index
        %get3A_168 = arith.constant 96 : index
        %get3A_169 = tpu.vector_load %arg8[%get3A_167, %get3A_168] {strides = array<i32>} : memref<16x256xf32, #tpu.memory_space<vmem>>, vector<1x16xf32>,
        %get3A_170 = vector.shape_cast %get3A_169 : vector<1x16xf32> to vector<16xf32>
        %add3A_171 = arith.addf %add3A_161, %get3A_170 : vector<16xf32>
        %get3A_172 = arith.index_cast %scan3A_131 : i32 to index
        %get3A_173 = arith.constant 112 : index
        %get3A_174 = tpu.vector_load %arg8[%get3A_172, %get3A_173] {strides = array<i32>} : memref<16x256xf32, #tpu.memory_space<vmem>>, vector<1x16xf32>,
        %get3A_175 = vector.shape_cast %get3A_174 : vector<1x16xf32> to vector<16xf32>
        %add3A_176 = arith.addf %add3A_166, %get3A_175 : vector<16xf32>
        %get3A_177 = arith.index_cast %scan3A_131 : i32 to index
        %get3A_178 = arith.constant 128 : index
        %get3A_179 = tpu.vector_load %arg8[%get3A_177, %get3A_178] {strides = array<i32>} : memref<16x256xf32, #tpu.memory_space<vmem>>, vector<1x16xf32>,
        %get3A_180 = vector.shape_cast %get3A_179 : vector<1x16xf32> to vector<16xf32>
        %add3A_181 = arith.addf %add3A_171, %get3A_180 : vector<16xf32>
        %get3A_182 = arith.index_cast %scan3A_131 : i32 to index
        %get3A_183 = arith.constant 144 : index
        %get3A_184 = tpu.vector_load %arg8[%get3A_182, %get3A_183] {strides = array<i32>} : memref<16x256xf32, #tpu.memory_space<vmem>>, vector<1x16xf32>,
        %get3A_185 = vector.shape_cast %get3A_184 : vector<1x16xf32> to vector<16xf32>
        %add3A_186 = arith.addf %add3A_176, %get3A_185 : vector<16xf32>
        %get3A_187 = arith.index_cast %scan3A_131 : i32 to index
        %get3A_188 = arith.constant 160 : index
        %get3A_189 = tpu.vector_load %arg8[%get3A_187, %get3A_188] {strides = array<i32>} : memref<16x256xf32, #tpu.memory_space<vmem>>, vector<1x16xf32>,
        %get3A_190 = vector.shape_cast %get3A_189 : vector<1x16xf32> to vector<16xf32>
        %add3A_191 = arith.addf %add3A_181, %get3A_190 : vector<16xf32>
        %get3A_192 = arith.index_cast %scan3A_131 : i32 to index
        %get3A_193 = arith.constant 176 : index
        %get3A_194 = tpu.vector_load %arg8[%get3A_192, %get3A_193] {strides = array<i32>} : memref<16x256xf32, #tpu.memory_space<vmem>>, vector<1x16xf32>,
        %get3A_195 = vector.shape_cast %get3A_194 : vector<1x16xf32> to vector<16xf32>
        %add3A_196 = arith.addf %add3A_186, %get3A_195 : vector<16xf32>
        %get3A_197 = arith.index_cast %scan3A_131 : i32 to index
        %get3A_198 = arith.constant 192 : index
        %get3A_199 = tpu.vector_load %arg8[%get3A_197, %get3A_198] {strides = array<i32>} : memref<16x256xf32, #tpu.memory_space<vmem>>, vector<1x16xf32>,
        %get3A_200 = vector.shape_cast %get3A_199 : vector<1x16xf32> to vector<16xf32>
        %add3A_201 = arith.addf %add3A_191, %add3A_196 : vector<16xf32>
        %jit3A = arith.constant 0.000000e+00 : f32
        %broadcast_in_dim3A_202 = vector.broadcast %jit3A : f32 to vector<16xf32>
        %select_n3A = arith.select %lt3A_42, %get3A_200, %broadcast_in_dim3A_202 : vector<16xi1>, vector<16xf32>
        %add3A_203 = arith.addf %add3A_201, %select_n3A : vector<16xf32>
        %xor3A = arith.constant 8 : i32
        %xor3A_204 = vector.broadcast %xor3A : i32 to vector<16xi32>
        %xor3A_205 = arith.xori %iota3A, %xor3A_204 : vector<16xi32>
        %broadcast_in_dim3A_206 = vector.shape_cast %xor3A_205 : vector<16xi32> to vector<16x1xi32>
        %gather3A = vector.shape_cast %broadcast_in_dim3A_206 : vector<16x1xi32> to vector<16xi32>
        %gather3A_207 = tpu.dynamic_gather %add3A_203[%gather3A] in [0] : vector<16xf32>, vector<16xi32> -> vector<16xf32>
        %add3A_208 = arith.addf %add3A_203, %gather3A_207 : vector<16xf32>
        %xor3A_209 = arith.constant 4 : i32
        %xor3A_210 = vector.broadcast %xor3A_209 : i32 to vector<16xi32>
        %xor3A_211 = arith.xori %iota3A, %xor3A_210 : vector<16xi32>
        %broadcast_in_dim3A_212 = vector.shape_cast %xor3A_211 : vector<16xi32> to vector<16x1xi32>
        %gather3A_213 = vector.shape_cast %broadcast_in_dim3A_212 : vector<16x1xi32> to vector<16xi32>
        %gather3A_214 = tpu.dynamic_gather %add3A_208[%gather3A_213] in [0] : vector<16xf32>, vector<16xi32> -> vector<16xf32>
        %add3A_215 = arith.addf %add3A_208, %gather3A_214 : vector<16xf32>
        %xor3A_216 = arith.constant 2 : i32
        %xor3A_217 = vector.broadcast %xor3A_216 : i32 to vector<16xi32>
        %xor3A_218 = arith.xori %iota3A, %xor3A_217 : vector<16xi32>
        %broadcast_in_dim3A_219 = vector.shape_cast %xor3A_218 : vector<16xi32> to vector<16x1xi32>
        %gather3A_220 = vector.shape_cast %broadcast_in_dim3A_219 : vector<16x1xi32> to vector<16xi32>
        %gather3A_221 = tpu.dynamic_gather %add3A_215[%gather3A_220] in [0] : vector<16xf32>, vector<16xi32> -> vector<16xf32>
        %add3A_222 = arith.addf %add3A_215, %gather3A_221 : vector<16xf32>
        %xor3A_223 = arith.constant 1 : i32
        %xor3A_224 = vector.broadcast %xor3A_223 : i32 to vector<16xi32>
        %xor3A_225 = arith.xori %iota3A, %xor3A_224 : vector<16xi32>
        %broadcast_in_dim3A_226 = vector.shape_cast %xor3A_225 : vector<16xi32> to vector<16x1xi32>
        %gather3A_227 = vector.shape_cast %broadcast_in_dim3A_226 : vector<16x1xi32> to vector<16xi32>
        %gather3A_228 = tpu.dynamic_gather %add3A_222[%gather3A_227] in [0] : vector<16xf32>, vector<16xi32> -> vector<16xf32>
        %add3A_229 = arith.addf %add3A_222, %gather3A_228 : vector<16xf32>
        %eq3A = vector.broadcast %scan3A_131 : i32 to vector<16xi32>
        %eq3A_230 = arith.cmpi eq, %iota3A, %eq3A : vector<16xi32>
        %select_n3A_231 = arith.select %eq3A_230, %add3A_229, %scan3A_132 : vector<16xi1>, vector<16xf32>
        scf.yield %select_n3A_231 : vector<16xf32>
      }
      %scan3A_49 = arith.constant 16 : i32
      %get3A = arith.constant 0 : index
      %get3A_50 = tpu.vector_load %arg10[%get3A] {strides = array<i32>} : memref<16xf32, #tpu.memory_space<vmem>>, vector<16xf32>,
      %get3A_51 = vector.shape_cast %get3A_50 : vector<16xf32> to vector<16xf32>
      %add3A_52 = arith.addf %scan3A_48, %get3A_51 : vector<16xf32>
      %neg3A = arith.constant 0.000000e+00 : f32
      %neg3A_53 = vector.broadcast %neg3A : f32 to vector<16xf32>
      %neg3A_54 = arith.subf %neg3A_53, %add3A_52 : vector<16xf32>
      %exp3A = math.exp %neg3A_54 : vector<16xf32>
      %add3A_55 = arith.constant 1.000000e+00 : f32
      %add3A_56 = vector.broadcast %add3A_55 : f32 to vector<16xf32>
      %add3A_57 = arith.addf %add3A_56, %exp3A : vector<16xf32>
      %div3A = arith.constant 1.000000e+00 : f32
      %div3A_58 = vector.broadcast %div3A : f32 to vector<16xf32>
      %div3A_59 = arith.divf %div3A_58, %add3A_57 : vector<16xf32>
      %mul3A_60 = arith.constant 1.000000e+04 : f32
      %mul3A_61 = vector.broadcast %mul3A_60 : f32 to vector<16xf32>
      %mul3A_62 = arith.mulf %div3A_59, %mul3A_61 : vector<16xf32>
      %add3A_63 = arith.constant 5.000000e-01 : f32
      %add3A_64 = vector.broadcast %add3A_63 : f32 to vector<16xf32>
      %add3A_65 = arith.addf %mul3A_62, %add3A_64 : vector<16xf32>
      %convert_element_type3A = arith.fptosi %add3A_65 : vector<16xf32> to vector<16xi32>
      %convert_element_type3A_66 = arith.sitofp %convert_element_type3A : vector<16xi32> to vector<16xf32>
      %mul3A_67 = arith.constant 9.99999974E-5 : f32
      %mul3A_68 = vector.broadcast %mul3A_67 : f32 to vector<16xf32>
      %mul3A_69 = arith.mulf %convert_element_type3A_66, %mul3A_68 : vector<16xf32>
      %swap3A = arith.constant 0 : index
      %swap3A_70 = tpu.vector_load %arg11[%swap3A] {strides = array<i32>} : memref<16xf32, #tpu.memory_space<vmem>>, vector<16xf32>,
      %swap3A_71 = vector.shape_cast %swap3A_70 : vector<16xf32> to vector<16xf32>
      %swap3A_72 = vector.shape_cast %mul3A_69 : vector<16xf32> to vector<16xf32>
      tpu.vector_store %arg11[%swap3A], %swap3A_72 {strides = array<i32>} : memref<16xf32, #tpu.memory_space<vmem>>, vector<16xf32>,
      %mul3A_73 = arith.constant 16 : i32
      %mul3A_74 = arith.muli %add3A_22, %mul3A_73 : i32
      "tpu.region"() ({
        %run_scoped3A = tpu.sem_alloc : memref<!tpu.dma_semaphore, #tpu.memory_space<semaphore_mem>>
        %dma_start3A = tpu.memref_slice %arg5[%mul3A_74] : memref<16384xf32, #tpu.memory_space<hbm>> -> memref<16xf32, #tpu.memory_space<hbm>>
        %dma_start3A_131 = tpu.memref_slice %arg5[%mul3A_74] : memref<16384xf32, #tpu.memory_space<hbm>> -> memref<16xf32, #tpu.memory_space<hbm>>
        tpu.enqueue_dma source(%arg11 : memref<16xf32, #tpu.memory_space<vmem>>) target(%dma_start3A_131 : memref<16xf32, #tpu.memory_space<hbm>>) target_semaphore(%run_scoped3A : memref<!tpu.dma_semaphore, #tpu.memory_space<semaphore_mem>>)
        %dma_wait3A = tpu.memref_slice %arg5[%mul3A_74] : memref<16384xf32, #tpu.memory_space<hbm>> -> memref<16xf32, #tpu.memory_space<hbm>>
        %dma_wait3A_132 = tpu.memref_slice %arg5[%mul3A_74] : memref<16384xf32, #tpu.memory_space<hbm>> -> memref<16xf32, #tpu.memory_space<hbm>>
        tpu.wait_dma2 semaphore(%run_scoped3A : memref<!tpu.dma_semaphore, #tpu.memory_space<semaphore_mem>>) src(%arg11 : memref<16xf32, #tpu.memory_space<vmem>>) dst(%dma_wait3A_132 : memref<16xf32, #tpu.memory_space<hbm>>)
        tpu.yield
      }) : () -> ()
      %lt3A_75 = arith.constant 15 : i32
      %lt3A_76 = arith.cmpi slt, %scan3A_18, %lt3A_75 : i32
      %convert_element_type3A_77 = arith.extui %lt3A_76 : i1 to i32
      %cond3A = arith.constant 0 : i32
      %cond3A_78 = arith.cmpi ne, %convert_element_type3A_77, %cond3A : i32
      scf.if %cond3A_78 {
        %add3A_131 = arith.constant 2 : i32
        %add3A_132 = arith.addi %add3A_22, %add3A_131 : i32
        %mul3A_133 = arith.constant 3200 : i32
        %mul3A_134 = arith.muli %add3A_132, %mul3A_133 : i32
        "tpu.region"() ({
          %run_scoped3A = tpu.sem_alloc : memref<!tpu.dma_semaphore, #tpu.memory_space<semaphore_mem>>
          %dma_start3A = tpu.memref_slice %arg2[%mul3A_134] : memref<3276800xi32, #tpu.memory_space<hbm>> -> memref<3200xi32, #tpu.memory_space<hbm>>
          %dma_start3A_142 = tpu.memref_slice %arg2[%mul3A_134] : memref<3276800xi32, #tpu.memory_space<hbm>> -> memref<3200xi32, #tpu.memory_space<hbm>>
          tpu.enqueue_dma source(%dma_start3A_142 : memref<3200xi32, #tpu.memory_space<hbm>>) target(%arg6 : memref<3200xi32, #tpu.memory_space<vmem>>) target_semaphore(%run_scoped3A : memref<!tpu.dma_semaphore, #tpu.memory_space<semaphore_mem>>)
          %dma_wait3A = tpu.memref_slice %arg2[%mul3A_134] : memref<3276800xi32, #tpu.memory_space<hbm>> -> memref<3200xi32, #tpu.memory_space<hbm>>
          %dma_wait3A_143 = tpu.memref_slice %arg2[%mul3A_134] : memref<3276800xi32, #tpu.memory_space<hbm>> -> memref<3200xi32, #tpu.memory_space<hbm>>
          tpu.wait_dma2 semaphore(%run_scoped3A : memref<!tpu.dma_semaphore, #tpu.memory_space<semaphore_mem>>) src(%dma_wait3A_143 : memref<3200xi32, #tpu.memory_space<hbm>>) dst(%arg6 : memref<3200xi32, #tpu.memory_space<vmem>>)
          tpu.yield
        }) : () -> ()
        %scan3A_135 = arith.constant 0 : i32
        %scan3A_136 = arith.constant 0 : i32
        %scan3A_137 = arith.constant 16 : i32
        %scan3A_138 = arith.addi %scan3A_136, %scan3A_137 : i32
        %scan3A_139 = arith.constant 1 : i32
        %scan3A_140 = scf.for %scan3A_142 = %scan3A_136 to %scan3A_138 step %scan3A_139 iter_args(%scan3A_143 = %scan3A_135) -> (i32)  : i32 {
          %mul3A_144 = arith.constant 200 : i32
          %mul3A_145 = arith.muli %scan3A_142, %mul3A_144 : i32
          %dma_start3A = arith.constant 0 : i32
          %dma_start3A_146 = tpu.memref_slice %arg8[%scan3A_142, %dma_start3A] : memref<16x256xf32, #tpu.memory_space<vmem>> -> memref<1x128xf32, #tpu.memory_space<vmem>>
          %dma_start3A_147 = tpu.memref_squeeze %dma_start3A_146 : memref<1x128xf32, #tpu.memory_space<vmem>> -> memref<128xf32, #tpu.memory_space<vmem>>
          %dma_start3A_148 = tpu.memref_slice %arg6[%mul3A_145] : memref<3200xi32, #tpu.memory_space<vmem>> -> memref<128xi32, #tpu.memory_space<vmem>>
          %dma_start3A_149 = arith.constant 0 : i32
          %dma_start3A_150 = tpu.memref_slice %arg3[%dma_start3A_149] : memref<1000000xf32, #tpu.memory_space<hbm>> -> memref<1000000xf32, #tpu.memory_space<hbm>>
          tpu.enqueue_indirect_dma source(%dma_start3A_150 : memref<1000000xf32, #tpu.memory_space<hbm>>) target(%dma_start3A_147 : memref<128xf32, #tpu.memory_space<vmem>>) offsets(%dma_start3A_148 : memref<128xi32, #tpu.memory_space<vmem>>) semaphore(%arg12 : memref<!tpu.dma_semaphore, #tpu.memory_space<semaphore_mem>>)
          %mul3A_151 = arith.constant 200 : i32
          %mul3A_152 = arith.muli %scan3A_142, %mul3A_151 : i32
          %add3A_153 = arith.constant 128 : i32
          %add3A_154 = arith.addi %mul3A_152, %add3A_153 : i32
          %dma_start3A_155 = arith.constant 128 : i32
          %dma_start3A_156 = tpu.memref_slice %arg8[%scan3A_142, %dma_start3A_155] : memref<16x256xf32, #tpu.memory_space<vmem>> -> memref<1x72xf32, #tpu.memory_space<vmem>>
          %dma_start3A_157 = tpu.memref_squeeze %dma_start3A_156 : memref<1x72xf32, #tpu.memory_space<vmem>> -> memref<72xf32, #tpu.memory_space<vmem>>
          %dma_start3A_158 = tpu.memref_slice %arg6[%add3A_154] : memref<3200xi32, #tpu.memory_space<vmem>> -> memref<72xi32, #tpu.memory_space<vmem>>
          %dma_start3A_159 = arith.constant 0 : i32
          %dma_start3A_160 = tpu.memref_slice %arg3[%dma_start3A_159] : memref<1000000xf32, #tpu.memory_space<hbm>> -> memref<1000000xf32, #tpu.memory_space<hbm>>
          tpu.enqueue_indirect_dma source(%dma_start3A_160 : memref<1000000xf32, #tpu.memory_space<hbm>>) target(%dma_start3A_157 : memref<72xf32, #tpu.memory_space<vmem>>) offsets(%dma_start3A_158 : memref<72xi32, #tpu.memory_space<vmem>>) semaphore(%arg12 : memref<!tpu.dma_semaphore, #tpu.memory_space<semaphore_mem>>)
          %scan3A_161 = arith.constant 0 : i32
          scf.yield %scan3A_161 : i32
        }
        %scan3A_141 = arith.constant 16 : i32
      } else {
      }
      %scan3A_79 = arith.constant 0 : i32
      %scan3A_80 = arith.constant 0 : i32
      %scan3A_81 = arith.constant 16 : i32
      %scan3A_82 = arith.addi %scan3A_80, %scan3A_81 : i32
      %scan3A_83 = arith.constant 1 : i32
      %scan3A_84 = scf.for %scan3A_131 = %scan3A_80 to %scan3A_82 step %scan3A_83 iter_args(%scan3A_132 = %scan3A_79) -> (i32)  : i32 {
        %mul3A_133 = arith.constant 200 : i32
        %mul3A_134 = arith.muli %scan3A_131, %mul3A_133 : i32
        %dma_wait3A = arith.constant 0 : i32
        %dma_wait3A_135 = tpu.memref_slice %arg9[%scan3A_131, %dma_wait3A] : memref<16x256xf32, #tpu.memory_space<vmem>> -> memref<1x128xf32, #tpu.memory_space<vmem>>
        %dma_wait3A_136 = tpu.memref_squeeze %dma_wait3A_135 : memref<1x128xf32, #tpu.memory_space<vmem>> -> memref<128xf32, #tpu.memory_space<vmem>>
        %dma_wait3A_137 = tpu.memref_slice %arg7[%mul3A_134] : memref<3200xi32, #tpu.memory_space<vmem>> -> memref<128xi32, #tpu.memory_space<vmem>>
        %dma_wait3A_138 = arith.constant 0 : i32
        %dma_wait3A_139 = tpu.memref_slice %arg3[%dma_wait3A_138] : memref<1000000xf32, #tpu.memory_space<hbm>> -> memref<1000000xf32, #tpu.memory_space<hbm>>
        tpu.wait_indirect_dma semaphore(%arg13 : memref<!tpu.dma_semaphore, #tpu.memory_space<semaphore_mem>>) src(%dma_wait3A_139 : memref<1000000xf32, #tpu.memory_space<hbm>>) dst(%dma_wait3A_136 : memref<128xf32, #tpu.memory_space<vmem>>)
        %mul3A_140 = arith.constant 200 : i32
        %mul3A_141 = arith.muli %scan3A_131, %mul3A_140 : i32
        %add3A_142 = arith.constant 128 : i32
        %add3A_143 = arith.addi %mul3A_141, %add3A_142 : i32
        %dma_wait3A_144 = arith.constant 128 : i32
        %dma_wait3A_145 = tpu.memref_slice %arg9[%scan3A_131, %dma_wait3A_144] : memref<16x256xf32, #tpu.memory_space<vmem>> -> memref<1x72xf32, #tpu.memory_space<vmem>>
        %dma_wait3A_146 = tpu.memref_squeeze %dma_wait3A_145 : memref<1x72xf32, #tpu.memory_space<vmem>> -> memref<72xf32, #tpu.memory_space<vmem>>
        %dma_wait3A_147 = tpu.memref_slice %arg7[%add3A_143] : memref<3200xi32, #tpu.memory_space<vmem>> -> memref<72xi32, #tpu.memory_space<vmem>>
        %dma_wait3A_148 = arith.constant 0 : i32
        %dma_wait3A_149 = tpu.memref_slice %arg3[%dma_wait3A_148] : memref<1000000xf32, #tpu.memory_space<hbm>> -> memref<1000000xf32, #tpu.memory_space<hbm>>
        tpu.wait_indirect_dma semaphore(%arg13 : memref<!tpu.dma_semaphore, #tpu.memory_space<semaphore_mem>>) src(%dma_wait3A_149 : memref<1000000xf32, #tpu.memory_space<hbm>>) dst(%dma_wait3A_146 : memref<72xf32, #tpu.memory_space<vmem>>)
        %scan3A_150 = arith.constant 0 : i32
        scf.yield %scan3A_150 : i32
      }
      %scan3A_85 = arith.constant 16 : i32
      %add3A_86 = arith.constant 1 : i32
      %add3A_87 = arith.addi %add3A_22, %add3A_86 : i32
      %lt3A_88 = arith.constant 8 : i32
      %lt3A_89 = vector.broadcast %lt3A_88 : i32 to vector<16xi32>
      %lt3A_90 = arith.cmpi slt, %iota3A, %lt3A_89 : vector<16xi32>
      %broadcast_in_dim3A_91 = arith.constant 0.000000e+00 : f32
      %broadcast_in_dim3A_92 = vector.broadcast %broadcast_in_dim3A_91 : f32 to vector<16xf32>
      %scan3A_93 = arith.constant 0 : i32
      %scan3A_94 = arith.constant 16 : i32
      %scan3A_95 = arith.addi %scan3A_93, %scan3A_94 : i32
      %scan3A_96 = arith.constant 1 : i32
      %scan3A_97 = scf.for %scan3A_131 = %scan3A_93 to %scan3A_95 step %scan3A_96 iter_args(%scan3A_132 = %broadcast_in_dim3A_92) -> (vector<16xf32>)  : i32 {
        %broadcast_in_dim3A_133 = arith.constant 0.000000e+00 : f32
        %broadcast_in_dim3A_134 = vector.broadcast %broadcast_in_dim3A_133 : f32 to vector<16xf32>
        %broadcast_in_dim3A_135 = arith.constant 0.000000e+00 : f32
        %broadcast_in_dim3A_136 = vector.broadcast %broadcast_in_dim3A_135 : f32 to vector<16xf32>
        %get3A_137 = arith.index_cast %scan3A_131 : i32 to index
        %get3A_138 = arith.constant 0 : index
        %get3A_139 = tpu.vector_load %arg9[%get3A_137, %get3A_138] {strides = array<i32>} : memref<16x256xf32, #tpu.memory_space<vmem>>, vector<1x16xf32>,
        %get3A_140 = vector.shape_cast %get3A_139 : vector<1x16xf32> to vector<16xf32>
        %add3A_141 = arith.addf %broadcast_in_dim3A_134, %get3A_140 : vector<16xf32>
        %get3A_142 = arith.index_cast %scan3A_131 : i32 to index
        %get3A_143 = arith.constant 16 : index
        %get3A_144 = tpu.vector_load %arg9[%get3A_142, %get3A_143] {strides = array<i32>} : memref<16x256xf32, #tpu.memory_space<vmem>>, vector<1x16xf32>,
        %get3A_145 = vector.shape_cast %get3A_144 : vector<1x16xf32> to vector<16xf32>
        %add3A_146 = arith.addf %broadcast_in_dim3A_136, %get3A_145 : vector<16xf32>
        %get3A_147 = arith.index_cast %scan3A_131 : i32 to index
        %get3A_148 = arith.constant 32 : index
        %get3A_149 = tpu.vector_load %arg9[%get3A_147, %get3A_148] {strides = array<i32>} : memref<16x256xf32, #tpu.memory_space<vmem>>, vector<1x16xf32>,
        %get3A_150 = vector.shape_cast %get3A_149 : vector<1x16xf32> to vector<16xf32>
        %add3A_151 = arith.addf %add3A_141, %get3A_150 : vector<16xf32>
        %get3A_152 = arith.index_cast %scan3A_131 : i32 to index
        %get3A_153 = arith.constant 48 : index
        %get3A_154 = tpu.vector_load %arg9[%get3A_152, %get3A_153] {strides = array<i32>} : memref<16x256xf32, #tpu.memory_space<vmem>>, vector<1x16xf32>,
        %get3A_155 = vector.shape_cast %get3A_154 : vector<1x16xf32> to vector<16xf32>
        %add3A_156 = arith.addf %add3A_146, %get3A_155 : vector<16xf32>
        %get3A_157 = arith.index_cast %scan3A_131 : i32 to index
        %get3A_158 = arith.constant 64 : index
        %get3A_159 = tpu.vector_load %arg9[%get3A_157, %get3A_158] {strides = array<i32>} : memref<16x256xf32, #tpu.memory_space<vmem>>, vector<1x16xf32>,
        %get3A_160 = vector.shape_cast %get3A_159 : vector<1x16xf32> to vector<16xf32>
        %add3A_161 = arith.addf %add3A_151, %get3A_160 : vector<16xf32>
        %get3A_162 = arith.index_cast %scan3A_131 : i32 to index
        %get3A_163 = arith.constant 80 : index
        %get3A_164 = tpu.vector_load %arg9[%get3A_162, %get3A_163] {strides = array<i32>} : memref<16x256xf32, #tpu.memory_space<vmem>>, vector<1x16xf32>,
        %get3A_165 = vector.shape_cast %get3A_164 : vector<1x16xf32> to vector<16xf32>
        %add3A_166 = arith.addf %add3A_156, %get3A_165 : vector<16xf32>
        %get3A_167 = arith.index_cast %scan3A_131 : i32 to index
        %get3A_168 = arith.constant 96 : index
        %get3A_169 = tpu.vector_load %arg9[%get3A_167, %get3A_168] {strides = array<i32>} : memref<16x256xf32, #tpu.memory_space<vmem>>, vector<1x16xf32>,
        %get3A_170 = vector.shape_cast %get3A_169 : vector<1x16xf32> to vector<16xf32>
        %add3A_171 = arith.addf %add3A_161, %get3A_170 : vector<16xf32>
        %get3A_172 = arith.index_cast %scan3A_131 : i32 to index
        %get3A_173 = arith.constant 112 : index
        %get3A_174 = tpu.vector_load %arg9[%get3A_172, %get3A_173] {strides = array<i32>} : memref<16x256xf32, #tpu.memory_space<vmem>>, vector<1x16xf32>,
        %get3A_175 = vector.shape_cast %get3A_174 : vector<1x16xf32> to vector<16xf32>
        %add3A_176 = arith.addf %add3A_166, %get3A_175 : vector<16xf32>
        %get3A_177 = arith.index_cast %scan3A_131 : i32 to index
        %get3A_178 = arith.constant 128 : index
        %get3A_179 = tpu.vector_load %arg9[%get3A_177, %get3A_178] {strides = array<i32>} : memref<16x256xf32, #tpu.memory_space<vmem>>, vector<1x16xf32>,
        %get3A_180 = vector.shape_cast %get3A_179 : vector<1x16xf32> to vector<16xf32>
        %add3A_181 = arith.addf %add3A_171, %get3A_180 : vector<16xf32>
        %get3A_182 = arith.index_cast %scan3A_131 : i32 to index
        %get3A_183 = arith.constant 144 : index
        %get3A_184 = tpu.vector_load %arg9[%get3A_182, %get3A_183] {strides = array<i32>} : memref<16x256xf32, #tpu.memory_space<vmem>>, vector<1x16xf32>,
        %get3A_185 = vector.shape_cast %get3A_184 : vector<1x16xf32> to vector<16xf32>
        %add3A_186 = arith.addf %add3A_176, %get3A_185 : vector<16xf32>
        %get3A_187 = arith.index_cast %scan3A_131 : i32 to index
        %get3A_188 = arith.constant 160 : index
        %get3A_189 = tpu.vector_load %arg9[%get3A_187, %get3A_188] {strides = array<i32>} : memref<16x256xf32, #tpu.memory_space<vmem>>, vector<1x16xf32>,
        %get3A_190 = vector.shape_cast %get3A_189 : vector<1x16xf32> to vector<16xf32>
        %add3A_191 = arith.addf %add3A_181, %get3A_190 : vector<16xf32>
        %get3A_192 = arith.index_cast %scan3A_131 : i32 to index
        %get3A_193 = arith.constant 176 : index
        %get3A_194 = tpu.vector_load %arg9[%get3A_192, %get3A_193] {strides = array<i32>} : memref<16x256xf32, #tpu.memory_space<vmem>>, vector<1x16xf32>,
        %get3A_195 = vector.shape_cast %get3A_194 : vector<1x16xf32> to vector<16xf32>
        %add3A_196 = arith.addf %add3A_186, %get3A_195 : vector<16xf32>
        %get3A_197 = arith.index_cast %scan3A_131 : i32 to index
        %get3A_198 = arith.constant 192 : index
        %get3A_199 = tpu.vector_load %arg9[%get3A_197, %get3A_198] {strides = array<i32>} : memref<16x256xf32, #tpu.memory_space<vmem>>, vector<1x16xf32>,
        %get3A_200 = vector.shape_cast %get3A_199 : vector<1x16xf32> to vector<16xf32>
        %add3A_201 = arith.addf %add3A_191, %add3A_196 : vector<16xf32>
        %jit3A = arith.constant 0.000000e+00 : f32
        %broadcast_in_dim3A_202 = vector.broadcast %jit3A : f32 to vector<16xf32>
        %select_n3A = arith.select %lt3A_90, %get3A_200, %broadcast_in_dim3A_202 : vector<16xi1>, vector<16xf32>
        %add3A_203 = arith.addf %add3A_201, %select_n3A : vector<16xf32>
        %xor3A = arith.constant 8 : i32
        %xor3A_204 = vector.broadcast %xor3A : i32 to vector<16xi32>
        %xor3A_205 = arith.xori %iota3A, %xor3A_204 : vector<16xi32>
        %broadcast_in_dim3A_206 = vector.shape_cast %xor3A_205 : vector<16xi32> to vector<16x1xi32>
        %gather3A = vector.shape_cast %broadcast_in_dim3A_206 : vector<16x1xi32> to vector<16xi32>
        %gather3A_207 = tpu.dynamic_gather %add3A_203[%gather3A] in [0] : vector<16xf32>, vector<16xi32> -> vector<16xf32>
        %add3A_208 = arith.addf %add3A_203, %gather3A_207 : vector<16xf32>
        %xor3A_209 = arith.constant 4 : i32
        %xor3A_210 = vector.broadcast %xor3A_209 : i32 to vector<16xi32>
        %xor3A_211 = arith.xori %iota3A, %xor3A_210 : vector<16xi32>
        %broadcast_in_dim3A_212 = vector.shape_cast %xor3A_211 : vector<16xi32> to vector<16x1xi32>
        %gather3A_213 = vector.shape_cast %broadcast_in_dim3A_212 : vector<16x1xi32> to vector<16xi32>
        %gather3A_214 = tpu.dynamic_gather %add3A_208[%gather3A_213] in [0] : vector<16xf32>, vector<16xi32> -> vector<16xf32>
        %add3A_215 = arith.addf %add3A_208, %gather3A_214 : vector<16xf32>
        %xor3A_216 = arith.constant 2 : i32
        %xor3A_217 = vector.broadcast %xor3A_216 : i32 to vector<16xi32>
        %xor3A_218 = arith.xori %iota3A, %xor3A_217 : vector<16xi32>
        %broadcast_in_dim3A_219 = vector.shape_cast %xor3A_218 : vector<16xi32> to vector<16x1xi32>
        %gather3A_220 = vector.shape_cast %broadcast_in_dim3A_219 : vector<16x1xi32> to vector<16xi32>
        %gather3A_221 = tpu.dynamic_gather %add3A_215[%gather3A_220] in [0] : vector<16xf32>, vector<16xi32> -> vector<16xf32>
        %add3A_222 = arith.addf %add3A_215, %gather3A_221 : vector<16xf32>
        %xor3A_223 = arith.constant 1 : i32
        %xor3A_224 = vector.broadcast %xor3A_223 : i32 to vector<16xi32>
        %xor3A_225 = arith.xori %iota3A, %xor3A_224 : vector<16xi32>
        %broadcast_in_dim3A_226 = vector.shape_cast %xor3A_225 : vector<16xi32> to vector<16x1xi32>
        %gather3A_227 = vector.shape_cast %broadcast_in_dim3A_226 : vector<16x1xi32> to vector<16xi32>
        %gather3A_228 = tpu.dynamic_gather %add3A_222[%gather3A_227] in [0] : vector<16xf32>, vector<16xi32> -> vector<16xf32>
        %add3A_229 = arith.addf %add3A_222, %gather3A_228 : vector<16xf32>
        %eq3A = vector.broadcast %scan3A_131 : i32 to vector<16xi32>
        %eq3A_230 = arith.cmpi eq, %iota3A, %eq3A : vector<16xi32>
        %select_n3A_231 = arith.select %eq3A_230, %add3A_229, %scan3A_132 : vector<16xi1>, vector<16xf32>
        scf.yield %select_n3A_231 : vector<16xf32>
      }
      %scan3A_98 = arith.constant 16 : i32
      %get3A_99 = arith.constant 0 : index
      %get3A_100 = tpu.vector_load %arg10[%get3A_99] {strides = array<i32>} : memref<16xf32, #tpu.memory_space<vmem>>, vector<16xf32>,
      %get3A_101 = vector.shape_cast %get3A_100 : vector<16xf32> to vector<16xf32>
      %add3A_102 = arith.addf %scan3A_97, %get3A_101 : vector<16xf32>
      %neg3A_103 = arith.constant 0.000000e+00 : f32
      %neg3A_104 = vector.broadcast %neg3A_103 : f32 to vector<16xf32>
      %neg3A_105 = arith.subf %neg3A_104, %add3A_102 : vector<16xf32>
      %exp3A_106 = math.exp %neg3A_105 : vector<16xf32>
      %add3A_107 = arith.constant 1.000000e+00 : f32
      %add3A_108 = vector.broadcast %add3A_107 : f32 to vector<16xf32>
      %add3A_109 = arith.addf %add3A_108, %exp3A_106 : vector<16xf32>
      %div3A_110 = arith.constant 1.000000e+00 : f32
      %div3A_111 = vector.broadcast %div3A_110 : f32 to vector<16xf32>
      %div3A_112 = arith.divf %div3A_111, %add3A_109 : vector<16xf32>
      %mul3A_113 = arith.constant 1.000000e+04 : f32
      %mul3A_114 = vector.broadcast %mul3A_113 : f32 to vector<16xf32>
      %mul3A_115 = arith.mulf %div3A_112, %mul3A_114 : vector<16xf32>
      %add3A_116 = arith.constant 5.000000e-01 : f32
      %add3A_117 = vector.broadcast %add3A_116 : f32 to vector<16xf32>
      %add3A_118 = arith.addf %mul3A_115, %add3A_117 : vector<16xf32>
      %convert_element_type3A_119 = arith.fptosi %add3A_118 : vector<16xf32> to vector<16xi32>
      %convert_element_type3A_120 = arith.sitofp %convert_element_type3A_119 : vector<16xi32> to vector<16xf32>
      %mul3A_121 = arith.constant 9.99999974E-5 : f32
      %mul3A_122 = vector.broadcast %mul3A_121 : f32 to vector<16xf32>
      %mul3A_123 = arith.mulf %convert_element_type3A_120, %mul3A_122 : vector<16xf32>
      %swap3A_124 = arith.constant 0 : index
      %swap3A_125 = tpu.vector_load %arg11[%swap3A_124] {strides = array<i32>} : memref<16xf32, #tpu.memory_space<vmem>>, vector<16xf32>,
      %swap3A_126 = vector.shape_cast %swap3A_125 : vector<16xf32> to vector<16xf32>
      %swap3A_127 = vector.shape_cast %mul3A_123 : vector<16xf32> to vector<16xf32>
      tpu.vector_store %arg11[%swap3A_124], %swap3A_127 {strides = array<i32>} : memref<16xf32, #tpu.memory_space<vmem>>, vector<16xf32>,
      %mul3A_128 = arith.constant 16 : i32
      %mul3A_129 = arith.muli %add3A_87, %mul3A_128 : i32
      "tpu.region"() ({
        %run_scoped3A = tpu.sem_alloc : memref<!tpu.dma_semaphore, #tpu.memory_space<semaphore_mem>>
        %dma_start3A = tpu.memref_slice %arg5[%mul3A_129] : memref<16384xf32, #tpu.memory_space<hbm>> -> memref<16xf32, #tpu.memory_space<hbm>>
        %dma_start3A_131 = tpu.memref_slice %arg5[%mul3A_129] : memref<16384xf32, #tpu.memory_space<hbm>> -> memref<16xf32, #tpu.memory_space<hbm>>
        tpu.enqueue_dma source(%arg11 : memref<16xf32, #tpu.memory_space<vmem>>) target(%dma_start3A_131 : memref<16xf32, #tpu.memory_space<hbm>>) target_semaphore(%run_scoped3A : memref<!tpu.dma_semaphore, #tpu.memory_space<semaphore_mem>>)
        %dma_wait3A = tpu.memref_slice %arg5[%mul3A_129] : memref<16384xf32, #tpu.memory_space<hbm>> -> memref<16xf32, #tpu.memory_space<hbm>>
        %dma_wait3A_132 = tpu.memref_slice %arg5[%mul3A_129] : memref<16384xf32, #tpu.memory_space<hbm>> -> memref<16xf32, #tpu.memory_space<hbm>>
        tpu.wait_dma2 semaphore(%run_scoped3A : memref<!tpu.dma_semaphore, #tpu.memory_space<semaphore_mem>>) src(%arg11 : memref<16xf32, #tpu.memory_space<vmem>>) dst(%dma_wait3A_132 : memref<16xf32, #tpu.memory_space<hbm>>)
        tpu.yield
      }) : () -> ()
      %scan3A_130 = arith.constant 0 : i32
      scf.yield %scan3A_130 : i32
    }
    %scan3A_17 = arith.constant 16 : i32
    return
  }
}

module attributes {stable_mosaic.version = 14 : i64} {
  func.func @_project_body(%arg0: i32, %arg1: memref<16x4096xf32, #tpu.memory_space<vmem>>, %arg2: memref<1x16xf32, #tpu.memory_space<vmem>>, %arg3: memref<4096xf32, #tpu.memory_space<vmem>>) attributes {dimension_semantics = [#tpu.dimension_semantics<arbitrary>], iteration_bounds = array<i64: 244>, scalar_prefetch = 0 : i64, scratch_operands = 0 : i64, tpu.core_type = #tpu.core_type<tc>, window_params = [{transform_indices = @transform_0, window_bounds = array<i64: 16, 4096>}, {pipeline_mode = #tpu.pipeline_mode<synchronous>, transform_indices = @transform_1, window_bounds = array<i64: 1, 16>}, {transform_indices = @transform_2, window_bounds = array<i64: 4096>}]} {
    %broadcast_in_dim3A = arith.constant 0.000000e+00 : f32
    %broadcast_in_dim3A_0 = vector.broadcast %broadcast_in_dim3A : f32 to vector<4096xf32>
    %get3A = arith.constant 0 : index
    %get3A_1 = arith.constant 0 : index
    %get3A_2 = vector.load %arg1[%get3A, %get3A_1] : memref<16x4096xf32, #tpu.memory_space<vmem>>, vector<1x4096xf32>
    %get3A_3 = vector.shape_cast %get3A_2 : vector<1x4096xf32> to vector<4096xf32>
    %get3A_4 = arith.constant 0 : index
    %get3A_5 = arith.constant 0 : index
    %get3A_6 = vector.load %arg2[%get3A_4, %get3A_5] : memref<1x16xf32, #tpu.memory_space<vmem>>, vector<1x1xf32>
    %get3A_7 = vector.extract %get3A_6[0, 0] : f32 from vector<1x1xf32>
    %mul3A = vector.broadcast %get3A_7 : f32 to vector<4096xf32>
    %mul3A_8 = arith.mulf %get3A_3, %mul3A : vector<4096xf32>
    %add3A = arith.addf %broadcast_in_dim3A_0, %mul3A_8 : vector<4096xf32>
    %get3A_9 = arith.constant 1 : index
    %get3A_10 = arith.constant 0 : index
    %get3A_11 = vector.load %arg1[%get3A_9, %get3A_10] : memref<16x4096xf32, #tpu.memory_space<vmem>>, vector<1x4096xf32>
    %get3A_12 = vector.shape_cast %get3A_11 : vector<1x4096xf32> to vector<4096xf32>
    %get3A_13 = arith.constant 0 : index
    %get3A_14 = arith.constant 1 : index
    %get3A_15 = vector.load %arg2[%get3A_13, %get3A_14] : memref<1x16xf32, #tpu.memory_space<vmem>>, vector<1x1xf32>
    %get3A_16 = vector.extract %get3A_15[0, 0] : f32 from vector<1x1xf32>
    %mul3A_17 = vector.broadcast %get3A_16 : f32 to vector<4096xf32>
    %mul3A_18 = arith.mulf %get3A_12, %mul3A_17 : vector<4096xf32>
    %add3A_19 = arith.addf %add3A, %mul3A_18 : vector<4096xf32>
    %get3A_20 = arith.constant 2 : index
    %get3A_21 = arith.constant 0 : index
    %get3A_22 = vector.load %arg1[%get3A_20, %get3A_21] : memref<16x4096xf32, #tpu.memory_space<vmem>>, vector<1x4096xf32>
    %get3A_23 = vector.shape_cast %get3A_22 : vector<1x4096xf32> to vector<4096xf32>
    %get3A_24 = arith.constant 0 : index
    %get3A_25 = arith.constant 2 : index
    %get3A_26 = vector.load %arg2[%get3A_24, %get3A_25] : memref<1x16xf32, #tpu.memory_space<vmem>>, vector<1x1xf32>
    %get3A_27 = vector.extract %get3A_26[0, 0] : f32 from vector<1x1xf32>
    %mul3A_28 = vector.broadcast %get3A_27 : f32 to vector<4096xf32>
    %mul3A_29 = arith.mulf %get3A_23, %mul3A_28 : vector<4096xf32>
    %add3A_30 = arith.addf %add3A_19, %mul3A_29 : vector<4096xf32>
    %get3A_31 = arith.constant 3 : index
    %get3A_32 = arith.constant 0 : index
    %get3A_33 = vector.load %arg1[%get3A_31, %get3A_32] : memref<16x4096xf32, #tpu.memory_space<vmem>>, vector<1x4096xf32>
    %get3A_34 = vector.shape_cast %get3A_33 : vector<1x4096xf32> to vector<4096xf32>
    %get3A_35 = arith.constant 0 : index
    %get3A_36 = arith.constant 3 : index
    %get3A_37 = vector.load %arg2[%get3A_35, %get3A_36] : memref<1x16xf32, #tpu.memory_space<vmem>>, vector<1x1xf32>
    %get3A_38 = vector.extract %get3A_37[0, 0] : f32 from vector<1x1xf32>
    %mul3A_39 = vector.broadcast %get3A_38 : f32 to vector<4096xf32>
    %mul3A_40 = arith.mulf %get3A_34, %mul3A_39 : vector<4096xf32>
    %add3A_41 = arith.addf %add3A_30, %mul3A_40 : vector<4096xf32>
    %get3A_42 = arith.constant 4 : index
    %get3A_43 = arith.constant 0 : index
    %get3A_44 = vector.load %arg1[%get3A_42, %get3A_43] : memref<16x4096xf32, #tpu.memory_space<vmem>>, vector<1x4096xf32>
    %get3A_45 = vector.shape_cast %get3A_44 : vector<1x4096xf32> to vector<4096xf32>
    %get3A_46 = arith.constant 0 : index
    %get3A_47 = arith.constant 4 : index
    %get3A_48 = vector.load %arg2[%get3A_46, %get3A_47] : memref<1x16xf32, #tpu.memory_space<vmem>>, vector<1x1xf32>
    %get3A_49 = vector.extract %get3A_48[0, 0] : f32 from vector<1x1xf32>
    %mul3A_50 = vector.broadcast %get3A_49 : f32 to vector<4096xf32>
    %mul3A_51 = arith.mulf %get3A_45, %mul3A_50 : vector<4096xf32>
    %add3A_52 = arith.addf %add3A_41, %mul3A_51 : vector<4096xf32>
    %get3A_53 = arith.constant 5 : index
    %get3A_54 = arith.constant 0 : index
    %get3A_55 = vector.load %arg1[%get3A_53, %get3A_54] : memref<16x4096xf32, #tpu.memory_space<vmem>>, vector<1x4096xf32>
    %get3A_56 = vector.shape_cast %get3A_55 : vector<1x4096xf32> to vector<4096xf32>
    %get3A_57 = arith.constant 0 : index
    %get3A_58 = arith.constant 5 : index
    %get3A_59 = vector.load %arg2[%get3A_57, %get3A_58] : memref<1x16xf32, #tpu.memory_space<vmem>>, vector<1x1xf32>
    %get3A_60 = vector.extract %get3A_59[0, 0] : f32 from vector<1x1xf32>
    %mul3A_61 = vector.broadcast %get3A_60 : f32 to vector<4096xf32>
    %mul3A_62 = arith.mulf %get3A_56, %mul3A_61 : vector<4096xf32>
    %add3A_63 = arith.addf %add3A_52, %mul3A_62 : vector<4096xf32>
    %get3A_64 = arith.constant 6 : index
    %get3A_65 = arith.constant 0 : index
    %get3A_66 = vector.load %arg1[%get3A_64, %get3A_65] : memref<16x4096xf32, #tpu.memory_space<vmem>>, vector<1x4096xf32>
    %get3A_67 = vector.shape_cast %get3A_66 : vector<1x4096xf32> to vector<4096xf32>
    %get3A_68 = arith.constant 0 : index
    %get3A_69 = arith.constant 6 : index
    %get3A_70 = vector.load %arg2[%get3A_68, %get3A_69] : memref<1x16xf32, #tpu.memory_space<vmem>>, vector<1x1xf32>
    %get3A_71 = vector.extract %get3A_70[0, 0] : f32 from vector<1x1xf32>
    %mul3A_72 = vector.broadcast %get3A_71 : f32 to vector<4096xf32>
    %mul3A_73 = arith.mulf %get3A_67, %mul3A_72 : vector<4096xf32>
    %add3A_74 = arith.addf %add3A_63, %mul3A_73 : vector<4096xf32>
    %get3A_75 = arith.constant 7 : index
    %get3A_76 = arith.constant 0 : index
    %get3A_77 = vector.load %arg1[%get3A_75, %get3A_76] : memref<16x4096xf32, #tpu.memory_space<vmem>>, vector<1x4096xf32>
    %get3A_78 = vector.shape_cast %get3A_77 : vector<1x4096xf32> to vector<4096xf32>
    %get3A_79 = arith.constant 0 : index
    %get3A_80 = arith.constant 7 : index
    %get3A_81 = vector.load %arg2[%get3A_79, %get3A_80] : memref<1x16xf32, #tpu.memory_space<vmem>>, vector<1x1xf32>
    %get3A_82 = vector.extract %get3A_81[0, 0] : f32 from vector<1x1xf32>
    %mul3A_83 = vector.broadcast %get3A_82 : f32 to vector<4096xf32>
    %mul3A_84 = arith.mulf %get3A_78, %mul3A_83 : vector<4096xf32>
    %add3A_85 = arith.addf %add3A_74, %mul3A_84 : vector<4096xf32>
    %get3A_86 = arith.constant 8 : index
    %get3A_87 = arith.constant 0 : index
    %get3A_88 = vector.load %arg1[%get3A_86, %get3A_87] : memref<16x4096xf32, #tpu.memory_space<vmem>>, vector<1x4096xf32>
    %get3A_89 = vector.shape_cast %get3A_88 : vector<1x4096xf32> to vector<4096xf32>
    %get3A_90 = arith.constant 0 : index
    %get3A_91 = arith.constant 8 : index
    %get3A_92 = vector.load %arg2[%get3A_90, %get3A_91] : memref<1x16xf32, #tpu.memory_space<vmem>>, vector<1x1xf32>
    %get3A_93 = vector.extract %get3A_92[0, 0] : f32 from vector<1x1xf32>
    %mul3A_94 = vector.broadcast %get3A_93 : f32 to vector<4096xf32>
    %mul3A_95 = arith.mulf %get3A_89, %mul3A_94 : vector<4096xf32>
    %add3A_96 = arith.addf %add3A_85, %mul3A_95 : vector<4096xf32>
    %get3A_97 = arith.constant 9 : index
    %get3A_98 = arith.constant 0 : index
    %get3A_99 = vector.load %arg1[%get3A_97, %get3A_98] : memref<16x4096xf32, #tpu.memory_space<vmem>>, vector<1x4096xf32>
    %get3A_100 = vector.shape_cast %get3A_99 : vector<1x4096xf32> to vector<4096xf32>
    %get3A_101 = arith.constant 0 : index
    %get3A_102 = arith.constant 9 : index
    %get3A_103 = vector.load %arg2[%get3A_101, %get3A_102] : memref<1x16xf32, #tpu.memory_space<vmem>>, vector<1x1xf32>
    %get3A_104 = vector.extract %get3A_103[0, 0] : f32 from vector<1x1xf32>
    %mul3A_105 = vector.broadcast %get3A_104 : f32 to vector<4096xf32>
    %mul3A_106 = arith.mulf %get3A_100, %mul3A_105 : vector<4096xf32>
    %add3A_107 = arith.addf %add3A_96, %mul3A_106 : vector<4096xf32>
    %get3A_108 = arith.constant 10 : index
    %get3A_109 = arith.constant 0 : index
    %get3A_110 = vector.load %arg1[%get3A_108, %get3A_109] : memref<16x4096xf32, #tpu.memory_space<vmem>>, vector<1x4096xf32>
    %get3A_111 = vector.shape_cast %get3A_110 : vector<1x4096xf32> to vector<4096xf32>
    %get3A_112 = arith.constant 0 : index
    %get3A_113 = arith.constant 10 : index
    %get3A_114 = vector.load %arg2[%get3A_112, %get3A_113] : memref<1x16xf32, #tpu.memory_space<vmem>>, vector<1x1xf32>
    %get3A_115 = vector.extract %get3A_114[0, 0] : f32 from vector<1x1xf32>
    %mul3A_116 = vector.broadcast %get3A_115 : f32 to vector<4096xf32>
    %mul3A_117 = arith.mulf %get3A_111, %mul3A_116 : vector<4096xf32>
    %add3A_118 = arith.addf %add3A_107, %mul3A_117 : vector<4096xf32>
    %get3A_119 = arith.constant 11 : index
    %get3A_120 = arith.constant 0 : index
    %get3A_121 = vector.load %arg1[%get3A_119, %get3A_120] : memref<16x4096xf32, #tpu.memory_space<vmem>>, vector<1x4096xf32>
    %get3A_122 = vector.shape_cast %get3A_121 : vector<1x4096xf32> to vector<4096xf32>
    %get3A_123 = arith.constant 0 : index
    %get3A_124 = arith.constant 11 : index
    %get3A_125 = vector.load %arg2[%get3A_123, %get3A_124] : memref<1x16xf32, #tpu.memory_space<vmem>>, vector<1x1xf32>
    %get3A_126 = vector.extract %get3A_125[0, 0] : f32 from vector<1x1xf32>
    %mul3A_127 = vector.broadcast %get3A_126 : f32 to vector<4096xf32>
    %mul3A_128 = arith.mulf %get3A_122, %mul3A_127 : vector<4096xf32>
    %add3A_129 = arith.addf %add3A_118, %mul3A_128 : vector<4096xf32>
    %get3A_130 = arith.constant 12 : index
    %get3A_131 = arith.constant 0 : index
    %get3A_132 = vector.load %arg1[%get3A_130, %get3A_131] : memref<16x4096xf32, #tpu.memory_space<vmem>>, vector<1x4096xf32>
    %get3A_133 = vector.shape_cast %get3A_132 : vector<1x4096xf32> to vector<4096xf32>
    %get3A_134 = arith.constant 0 : index
    %get3A_135 = arith.constant 12 : index
    %get3A_136 = vector.load %arg2[%get3A_134, %get3A_135] : memref<1x16xf32, #tpu.memory_space<vmem>>, vector<1x1xf32>
    %get3A_137 = vector.extract %get3A_136[0, 0] : f32 from vector<1x1xf32>
    %mul3A_138 = vector.broadcast %get3A_137 : f32 to vector<4096xf32>
    %mul3A_139 = arith.mulf %get3A_133, %mul3A_138 : vector<4096xf32>
    %add3A_140 = arith.addf %add3A_129, %mul3A_139 : vector<4096xf32>
    %get3A_141 = arith.constant 13 : index
    %get3A_142 = arith.constant 0 : index
    %get3A_143 = vector.load %arg1[%get3A_141, %get3A_142] : memref<16x4096xf32, #tpu.memory_space<vmem>>, vector<1x4096xf32>
    %get3A_144 = vector.shape_cast %get3A_143 : vector<1x4096xf32> to vector<4096xf32>
    %get3A_145 = arith.constant 0 : index
    %get3A_146 = arith.constant 13 : index
    %get3A_147 = vector.load %arg2[%get3A_145, %get3A_146] : memref<1x16xf32, #tpu.memory_space<vmem>>, vector<1x1xf32>
    %get3A_148 = vector.extract %get3A_147[0, 0] : f32 from vector<1x1xf32>
    %mul3A_149 = vector.broadcast %get3A_148 : f32 to vector<4096xf32>
    %mul3A_150 = arith.mulf %get3A_144, %mul3A_149 : vector<4096xf32>
    %add3A_151 = arith.addf %add3A_140, %mul3A_150 : vector<4096xf32>
    %get3A_152 = arith.constant 14 : index
    %get3A_153 = arith.constant 0 : index
    %get3A_154 = vector.load %arg1[%get3A_152, %get3A_153] : memref<16x4096xf32, #tpu.memory_space<vmem>>, vector<1x4096xf32>
    %get3A_155 = vector.shape_cast %get3A_154 : vector<1x4096xf32> to vector<4096xf32>
    %get3A_156 = arith.constant 0 : index
    %get3A_157 = arith.constant 14 : index
    %get3A_158 = vector.load %arg2[%get3A_156, %get3A_157] : memref<1x16xf32, #tpu.memory_space<vmem>>, vector<1x1xf32>
    %get3A_159 = vector.extract %get3A_158[0, 0] : f32 from vector<1x1xf32>
    %mul3A_160 = vector.broadcast %get3A_159 : f32 to vector<4096xf32>
    %mul3A_161 = arith.mulf %get3A_155, %mul3A_160 : vector<4096xf32>
    %add3A_162 = arith.addf %add3A_151, %mul3A_161 : vector<4096xf32>
    %get3A_163 = arith.constant 15 : index
    %get3A_164 = arith.constant 0 : index
    %get3A_165 = vector.load %arg1[%get3A_163, %get3A_164] : memref<16x4096xf32, #tpu.memory_space<vmem>>, vector<1x4096xf32>
    %get3A_166 = vector.shape_cast %get3A_165 : vector<1x4096xf32> to vector<4096xf32>
    %get3A_167 = arith.constant 0 : index
    %get3A_168 = arith.constant 15 : index
    %get3A_169 = vector.load %arg2[%get3A_167, %get3A_168] : memref<1x16xf32, #tpu.memory_space<vmem>>, vector<1x1xf32>
    %get3A_170 = vector.extract %get3A_169[0, 0] : f32 from vector<1x1xf32>
    %mul3A_171 = vector.broadcast %get3A_170 : f32 to vector<4096xf32>
    %mul3A_172 = arith.mulf %get3A_166, %mul3A_171 : vector<4096xf32>
    %add3A_173 = arith.addf %add3A_162, %mul3A_172 : vector<4096xf32>
    %swap3A = arith.constant 0 : index
    %swap3A_174 = vector.load %arg3[%swap3A] : memref<4096xf32, #tpu.memory_space<vmem>>, vector<4096xf32>
    tpu.vector_store %arg3[%swap3A], %add3A_173 {strides = array<i32>} : memref<4096xf32, #tpu.memory_space<vmem>>, vector<4096xf32>,
    return
  }
  func.func @transform_0(%arg0: i32) -> (i32, i32) {
    %c0_i32 = arith.constant 0 : i32
    %c0_i32_0 = arith.constant 0 : i32
    return %c0_i32, %arg0 : i32, i32
  }
  func.func @transform_1(%arg0: i32) -> (i32, i32) {
    %c0_i32 = arith.constant 0 : i32
    %c0_i32_0 = arith.constant 0 : i32
    %c0_i32_1 = arith.constant 0 : i32
    return %c0_i32, %c0_i32_0 : i32, i32
  }
  func.func @transform_2(%arg0: i32) -> i32 {
    %c0_i32 = arith.constant 0 : i32
    return %arg0 : i32
  }
}

</mosaic_0001>

<sc_bundles>
// kernel: _run.4.cloned.1.call-start
scs
__scs_entry_jumppad:
0x0: {  	(pc) =	sbr.rel $0x88, $3  }
0x1: {  	(tag) =	ssettag $0x0;
	lr =	simm.s32 $0x1  }
0x2: {  	[smem:$0x3F9D] =	sst lr;
	_ =	strace $0xD0000000  }
0x3: {  	_ = 	snop  }
0x4: {  	_ = 	snop  }
0x5: {  	_ = 	snop  }
0x6: {  	_ = 	snop  }
0x7: {  	_ = 	snop  }
__scs_overlays_trampoline_lowered:
0x8: {  	[smem:$0x3FAC] =	sst s0  }
0x9: {  	[smem:$0x3FAD] =	sst s1  }
0xa: {  	[smem:$0x3FAE] =	sst s2  }
0xb: {  	[smem:$0x3FAF] =	sst s3  }
0xc: {  	[smem:$0x3FB0] =	sst s4  }
0xd: {  	[smem:$0x3FB1] =	sst s5  }
0xe: {  	[smem:$0x3FB2] =	sst s6  }
0xf: {  	[smem:$0x3FB3] =	sst s7  }
0x10: {  	[smem:$0x3FB4] =	sst s8  }
0x11: {  	[smem:$0x3FB5] =	sst s9;
	s0 =	simm.s32 @!p0 $0x0  }
0x12: {  	s1 =	sld [smem:$0x3F9B];
	s0 =	simm.s32 @p0 $0x1  }
0x13: {  	[smem:$0x3FB6] =	sst s0;
	s0 =	simm.s32 @!p1 $0x0  }
0x14: {  	s2 =	sld [smem:$0x3F9A];
	s0 =	simm.s32 @p1 $0x1  }
0x15: {  	[smem:$0x3FB7] =	sst s0;
	s0 =	simm.s32 @!p2 $0x0  }
0x16: {  	s3 =	sld [smem:$0x3FDB];
	s0 =	simm.s32 @p2 $0x1  }
0x17: {  	s4 =	simm.s32 $0x1BF5;
	[smem:$0x3FB9] =	sst s0  }
0x18: {  	s0 =	sld [smem:$0x3F9C];
	_ =	swait.ge [sflag:s4], $0x0  }
0x19: {  	s7 =	sld [smem:$0x3F9D]  }
0x1a: {  	s8 =	sadd.s32 $0xFFFFE003, lr  }
0x1b: {  	s9 =	sadd.s32 $0xFFFFFEF7, lr;
	s5 =	simm.s32 $0xFFFFFFFF;
	p2 =	slt.u32 s8, $0xFFFFF086  }
0x1c: {  	p1 =	slt.u32 s9, $0xF7A;
	s5 =	simm.s32 @!p2 $0x0  }
0x1d: {  	s5 =	simm.s32 @p1 $0x1;
	p0 =	seq.s32 s7, s2  }
0x1e: {  	s7 =	smul.u32 @!p0 $0xF7A, s2;
	p2 =	seq.s32 @!p0 s5, $0x0  }
0x1f: {  	s9 =	smul.u32 $0xF7A, s1;
	s8 =	simm.s32 @!p0 $0x1BF5;
	p2 =	por !p2, p0  }
0x20: {  	[sflag:s8] =	ssyncset.s32 @!p0 $0xFFFFF086;
	s6 =	sadd.s32 @!p0 s3, s7;
	s7 =	simm.s32 @!p0 $0x108  }
0x21: {  	s3 =	sadd.s32 s3, s9;
	s6 =	sadd.s32 @!p0 $0x88, s6;
	s7 =	simm.s32 @p2 $0x1082  }
0x22: {  	[simem:s7], [sflag:s8] =	dma.local @!p0 [hbm:s6], $0xF7A  }
0x23: {  	s9 =	sor.u32 $0xD0000000, s2;
	s6 =	simm.s32 $0x108;
	_ =	swait.ge @!p0 [sflag:s8], $0x0  }
0x24: {  	s3 =	sadd.s32 $0x88, s3;
	s6 =	simm.s32 @!p1 $0x1082;
	[sflag:s4] =	ssyncset.s32 $0xFFFFF086  }
0x25: {  	[simem:s6], [sflag:s4] =	dma.local [hbm:s3], $0xF7A  }
0x26: {  	[smem:$0x3F9D] =	sst s1;
	(tag) =	ssettag s2;
	_ =	strace s9  }
0x27: {  	s1 =	sld [smem:$0x3FAD]  }
0x28: {  	s2 =	sld [smem:$0x3FAE]  }
0x29: {  	s4 =	sld [smem:$0x3FB0]  }
0x2a: {  	p0 =	seq.s32 s5, $0x0;
	s5 =	sld [smem:$0x3FB1]  }
0x2b: {  	s6 =	sld [smem:$0x3FB2]  }
0x2c: {  	s7 =	sld [smem:$0x3FB3]  }
0x2d: {  	s3 =	simm.s32 $0x108;
	s8 =	sld [smem:$0x3FB4]  }
0x2e: {  	s3 =	simm.s32 @!p0 $0x1082;
	s9 =	sld [smem:$0x3FB5]  }
0x2f: {  	lr =	sadd.s32 s0, s3;
	s0 =	sld [smem:$0x3FAC]  }
0x30: {  	s3 =	sld [smem:$0x3FAF]  }
0x31: {  	[smem:$0x3FB8] =	sst s10  }
0x32: {  	s10 =	sld [smem:$0x3FB6];
	_ =	sdelay $0x3  }
0x33: {  	p0 =	seq.s32 s10, $0x1;
	s10 =	sld [smem:$0x3FB8];
	_ =	sdelay $0x3  }
0x34: {  	[smem:$0x3FB8] =	sst s10  }
0x35: {  	s10 =	sld [smem:$0x3FB7];
	_ =	sdelay $0x3  }
0x36: {  	p1 =	seq.s32 s10, $0x1;
	s10 =	sld [smem:$0x3FB8];
	_ =	sdelay $0x3  }
0x37: {  	[smem:$0x3FB8] =	sst s10  }
0x38: {  	s10 =	sld [smem:$0x3FB9]  }
0x39: {  	_ = 	snop;
	(pc) =	sbr.ind lr, $3  }
0x3a: {  	_ = 	snop  }
0x3b: {  	_ = 	snop  }
0x3c: {  	p2 =	seq.s32 s10, $0x1;
	s10 =	sld [smem:$0x3FB8]  }
0x3d: {  	_ =	shalt  }
0x3e: {  	_ =	shalt  }
0x3f: {  	_ =	shalt  }
0x40: {  	_ =	shalt  }
0x41: {  	_ =	shalt  }
0x42: {  	_ =	shalt  }
0x43: {  	_ =	shalt  }
0x44: {  	_ =	shalt  }
0x45: {  	_ =	shalt  }
0x46: {  	_ =	shalt  }
0x47: {  	_ =	shalt  }
0x48: {  	_ =	shalt  }
0x49: {  	_ =	shalt  }
0x4a: {  	_ =	shalt  }
0x4b: {  	_ =	shalt  }
0x4c: {  	_ =	shalt  }
0x4d: {  	_ =	shalt  }
0x4e: {  	_ =	shalt  }
0x4f: {  	_ =	shalt  }
0x50: {  	_ =	shalt  }
0x51: {  	_ =	shalt  }
0x52: {  	_ =	shalt  }
0x53: {  	_ =	shalt  }
0x54: {  	_ =	shalt  }
0x55: {  	_ =	shalt  }
0x56: {  	_ =	shalt  }
0x57: {  	_ =	shalt  }
0x58: {  	_ =	shalt  }
0x59: {  	_ =	shalt  }
0x5a: {  	_ =	shalt  }
0x5b: {  	_ =	shalt  }
0x5c: {  	_ =	shalt  }
0x5d: {  	_ =	shalt  }
0x5e: {  	_ =	shalt  }
0x5f: {  	_ =	shalt  }
0x60: {  	_ =	shalt  }
0x61: {  	_ =	shalt  }
0x62: {  	_ =	shalt  }
0x63: {  	_ =	shalt  }
0x64: {  	_ =	shalt  }
0x65: {  	_ =	shalt  }
0x66: {  	_ =	shalt  }
0x67: {  	_ =	shalt  }
0x68: {  	_ =	shalt  }
0x69: {  	_ =	shalt  }
0x6a: {  	_ =	shalt  }
0x6b: {  	_ =	shalt  }
0x6c: {  	_ =	shalt  }
0x6d: {  	_ =	shalt  }
0x6e: {  	_ =	shalt  }
0x6f: {  	_ =	shalt  }
0x70: {  	_ =	shalt  }
0x71: {  	_ =	shalt  }
0x72: {  	_ =	shalt  }
0x73: {  	_ =	shalt  }
0x74: {  	_ =	shalt  }
0x75: {  	_ =	shalt  }
0x76: {  	_ =	shalt  }
0x77: {  	_ =	shalt  }
0x78: {  	_ =	shalt  }
0x79: {  	_ =	shalt  }
0x7a: {  	_ =	shalt  }
0x7b: {  	_ =	shalt  }
0x7c: {  	_ =	shalt  }
0x7d: {  	_ =	shalt  }
0x7e: {  	_ =	shalt  }
0x7f: {  	_ =	shalt  }
0x80: {  	_ =	shalt  }
0x81: {  	_ =	shalt  }
0x82: {  	_ =	shalt  }
0x83: {  	_ =	shalt  }
0x84: {  	_ =	shalt  }
0x85: {  	_ =	shalt  }
0x86: {  	_ =	shalt  }
0x87: {  	_ =	shalt  }
.Lfunc_end0:
.L_simem_size_0:
called_computation_lowered:
.L_overlay_start_0:
0x88: {  	s2 =	sld [smem:$0x3FD9]  }
0x89: {  	s3 =	sld [smem:$0x3FFE];
	_ =	sdelay $0x1  }
0x8a: {  	s1 =	srdreg.scid  }
0x8b: {  	s0 =	sand.u32 $0x1, s1  }
0x8c: {  	s17 =	sshll.u32 s0, $0xA;
	s2 =	sadd.s32 s3, s2  }
0x8d: {  	s2 =	sadd.s32 s2, s17  }
0x8e: {  	[smem:$0x3FC4] =	sst s2  }
0x8f: {  	_ = 	snop  }
0x90: {  	s2 =	sld [smem:$0x3FC9]  }
0x91: {  	s18 =	sld [smem:$0x3FD0];
	(tm) =	ssettm $0x1  }
0x92: {  	s4 =	sld [smem:$0x3FFB];
	_ =	sdelay $0x3  }
0x93: {  	_ =	strace s4  }
0x94: {  	s4 =	sld [smem:$0x3FFC];
	_ =	sdelay $0x3  }
0x95: {  	_ =	strace s4  }
0x96: {  	s4 =	sld [smem:$0x3FFD];
	_ =	sdelay $0x3  }
0x97: {  	_ =	strace s4  }
0x98: {  	_ =	strace $0x8FFFFFFF  }
0x99: {  	s19 =	sld [smem:$0x3FDB];
	_ =	sdelay $0x1  }
0x9a: {  	s5 =	simm.s32 $_scs_section_size  }
0x9b: {  	s6 =	simm.s32 $_size__tile_overlayer_lowered;
	s7 =	simm.s32 $_tile_overlayer_lowered  }
0x9c: {  	s22 =	simm.s32 $0x1BFF;
	s21 =	sshll.u32 s7, $0x1;
	s4 =	sadd.s32 s5, s19  }
0x9d: {  	s8 =	simm.s32 $0x0;
	s20 =	sshll.u32 s6, $0x1;
	s6 =	sadd.s32 s21, s4  }
0x9e: {  	[timem:s8], [sflag:s22] =	dma.local [hbm:s6], s20  }
0x9f: {  	_ =	swait.ge [sflag:s22], s20  }
0xa0: {  	s5 =	ssub.s32 $0x0, s20;
	[sflag:s22] =	ssyncset.done $0x0  }
0xa1: {  	[sflag:s22] =	ssyncadd.s32 s5;
	_ =	sdelay $0x1  }
0xa2: {  	s23 =	simm.s32 $0x1B8B  }
0xa3: {  	_ =	swait.ge [sflag:s23], $0x1  }
0xa4: {  	[sflag:s23] =	ssyncset.done $0x0  }
0xa5: {  	s25 =	simm.s32 $0x1B8E;
	s24 =	sld [smem:$0x3FFE];
	[sflag:s23] =	ssyncadd.s32 $0xFFFFFFFF  }
0xa6: {  	s26 =	simm.s32 $execute0_lowered;
	[smem:$0x3FD2] =	sst s25  }
0xa7: {  	s6 =	sshll.u32 s26, $0x1;
	_ =	strace $0x80000046;
	[dreg:$0x1] =	wrdreg $0xFFFFFFFF  }
0xa8: {  	s28 =	simm.s32 $_size_execute0_lowered;
	s4 =	sadd.s32 s4, s6;
	[dreg:$0x0] =	wrdreg $0x0  }
0xa9: {  	s6 =	sshll.u32 s28, $0x1;
	[dreg:$0x2] =	wrdreg s4  }
0xaa: {  	[dreg:$0x3] =	wrdreg s6  }
0xab: {  	[dreg:$0x4] =	wrdreg $0xC0  }
0xac: {  	_ =	task [dreg:s8], $0x5FFFF  }
0xad: {  	[dreg:$0x1] =	wrdreg $0xFFFFFFFF  }
0xae: {  	[dreg:$0x0] =	wrdreg $0x60  }
0xaf: {  	[dreg:$0x2] =	wrdreg s2  }
0xb0: {  	[dreg:$0x3] =	wrdreg s24  }
0xb1: {  	[dreg:$0x4] =	wrdreg s18  }
0xb2: {  	[dreg:$0x5] =	wrdreg $0x9  }
0xb3: {  	_ =	task.clear_ibuf [dreg:s8], $0x6FFFF;
	_ =	strace $0x90000046  }
0xb4: {  	s29 =	simm.s32 $0x9;
	_ =	strace $0x80000048  }
0xb5: {  	_ =	swait.ge [sflag:s29], $0x1  }
0xb6: {  	[sflag:s29] =	ssyncadd.s32 $0xFFFFFFFF  }
0xb7: {  	_ =	strace $0x90000048  }
0xb8: {  	_ =	sfence  }
0xb9: {  	s30 =	sld [smem:$0x0];
	_ =	sdelay $0x2  }
0xba: {  	s31 =	sshll.u32 s1, $0xD;
	s1 =	sshrl.u32 s1, $0x2  }
0xbb: {  	s3 =	sand.u32 $0x4000, s31;
	s1 =	sadd.s32 s1, s30  }
0xbc: {  	s0 =	sor.u32 s3, s0;
	s1 =	sshll.u32 s1, $0x11  }
0xbd: {  	s0 =	sor.u32 s1, s0  }
0xbe: {  	s0 =	sadd.s32 $0x8F2B, s0  }
0xbf: {  	[sflag:s0] =	ssyncadd.remote.s32 $0x1  }
0xc0: {  	_ =	sfence.sel $0xFFFF  }
0xc1: {  	[dreg:$0x0] =	wrdreg $0xFFFFFFFF;
	(pc) =	sbr.abs _section_cstart, $3  }
0xc2: {  	[dreg:$0x1] =	wrdreg $0xFFFFFFFF  }
0xc3: {  	_ =	task.clear_ibuf [dreg:s8], $0x2FFFF;
	_ =	strace $0x9FFFFFFF  }
0xc4: {  	(tm) =	ssettm $0x7FFFFFFF  }
0xc5: {  	_ =	shalt  }
tec
execute0_lowered:
.L_overlay_start_1:
0x0: {  	(tag) =	ssettag $0x1  }
0x1: {  	s1 =	rddreg [dreg:$0x0]  }
0x2: {  	s0 =	rddreg [dreg:$0x1]  }
0x3: {  	s3 =	rddreg [dreg:$0x2]  }
0x4: {  	s2 =	srdreg.scid;
	s14 =	simm.s32 $0x48;
	s31 =	simm.s32 $0xC80  }
0x5: {  	s5 =	stileid.u32;
	s4 =	simm.s32 $0x0;
	s11 =	simm.s32 $0x3;
	v0 =	vimm.s32 $0xFEDCBA98;
	v1 =	vimm.s32 $0x76543210;
	v2 =	vimm.s32 $0xBA98FEDC  }
0x6: {  	s12 =	simm.s32 $0x80;
	v3 =	vimm.s32 $0x32107654;
	v4 =	vimm.s32 $0xDCFE98BA;
	s16 =	simm.s32 $0x3600;
	s17 =	simm.s32 $0x1728  }
0x7: {  	v5 =	vimm.s32 $0x54761032;
	s18 =	simm.s32 $0x3680;
	s19 =	simm.s32 $0x1770;
	s20 =	simm.s32 $0x3700  }
0x8: {  	v6 =	vimm.s32 $0xEFCDAB89;
	s21 =	simm.s32 $0x17F0;
	s22 =	simm.s32 $0x3780;
	s23 =	simm.s32 $0x1838  }
0x9: {  	v7 =	vimm.s32 $0x67452301;
	s24 =	simm.s32 $0x3800;
	s28 =	simm.s32 $0x1;
	s29 =	simm.s32 $0x3910;
	v0 =	vunpack.c.l.s4.s8 v0;
	v1 =	vunpack.c.l.s4.s8 v1  }
0xa: {  	s30 =	simm.s32 $0x2;
	s2 =	sand.u32 $0x1, s2;
	s5 =	sshll.u32 s5, $0x1;
	v2 =	vunpack.c.l.s4.s8 v2;
	v3 =	vunpack.c.l.s4.s8 v3;
	v4 =	vunpack.c.l.s4.s8 v4  }
0xb: {  	[smem:$0x7FF] =	sst s4;
	v5 =	vunpack.c.l.s4.s8 v5;
	v6 =	vunpack.c.l.s4.s8 v6;
	v7 =	vunpack.c.l.s4.s8 v7;
	s6 =	sor.u32 s2, s5;
	s2 =	ssub.s32 $0x2, s2  }
0xc: {  	s5 =	sadd.s32 $0x600, s0;
	s0 =	sadd.s32 $0x1F000, s0;
	s8 =	smul.u32 $0x3200, s6;
	v0 =	vunpack.c.0.s8.s32 v0;
	v1 =	vunpack.c.0.s8.s32 v1;
	v2 =	vunpack.c.0.s8.s32 v2  }
0xd: {  	_ =	strace $0x80000047;
	[dreg:$0x4] =	wrdreg s0;
	s25 =	sshrl.u32 s2, $0x1;
	v3 =	vunpack.c.0.s8.s32 v3;
	v4 =	vunpack.c.0.s8.s32 v4;
	v5 =	vunpack.c.0.s8.s32 v5  }
0xe: {  	s7 =	sshll.u32 s6, $0x5;
	v6 =	vunpack.c.0.s8.s32 v6;
	v7 =	vunpack.c.0.s8.s32 v7;
	s0 =	ssub.s32 s2, s25;
	s26 =	sadd.s32 s1, s8;
	v0 =	vand.u32 $0xF, v0  }
0xf: {  	vm0 =	vmmov $0xff;
	s25 =	simm.s32 $0x18B8;
	s0 =	smax.u32 s0, $0x1;
	[dreg:$0x5] =	wrdreg s26;
	v0 =	vcombine.low v0, v1;
	v1 =	vcombine.low v3, v2  }
0x10: {  	s2 =	simm.s32 $0x0;
	[dreg:$0x6] =	wrdreg s0;
	v2 =	vcombine.low v5, v4;
	s26 =	simm.s32 $0x3880;
	v3 =	vcombine.low v7, v6;
	v4 =	vlaneseq.u32  }
.LBB2_1:
0x11: {  	[dreg:$0x7] =	wrdreg s2  }
0x12: {  	s0 =	rddreg [dreg:$0x4];
	s10 =	simm.s32 $0x3900  }
0x13: {  	[tilespmem:s10], [sflag:$0x3] =	stream.linear.gather [hbm4b:s0+s4], $0x10, $0x38;
	[tilespmem:$0x3920] =	vst v63  }
0x14: {  	_ =	swait.ge [sflag:s11], $0x10  }
0x15: {  	[sflag:s11] =	ssyncset.done $0x0  }
0x16: {  	s13 =	rddreg [dreg:$0x5];
	[sflag:s11] =	ssyncadd.s32 $0xFFFFFFF0  }
0x17: {  	[tilespmem:s4], [sflag:$0x3] =	stream.linear.gather [hbm4b:s13+s4], $0xC80, $0x38;
	[tilespmem:$0x3920] =	vst v63  }
0x18: {  	_ =	swait.ge [sflag:s11], $0xC80  }
0x19: {  	[sflag:s11] =	ssyncset.done $0x0  }
0x1a: {  	s15 =	simm.s32 $0x1900;
	[sflag:s11] =	ssyncadd.s32 $0xFFFFF380  }
0x1b: {  	[tilespmem:s15], [sflag:$0x1] =	stream.indirect.gather [hbm4b:s5+s12], $0x1, s4, s12, $0xb8;
	[tilespmem:$0x3920] =	vst v63  }
0x1c: {  	s2 =	simm.s32 $0x1980  }
0x1d: {  	[tilespmem:s2], [sflag:$0x1] =	stream.indirect.gather [hbm4b:s5+s14], $0x1, s12, s14, $0xb8;
	[tilespmem:$0x3920] =	vst v63  }
0x1e: {  	s6 =	simm.s32 $0xC8;
	s8 =	simm.s32 $0x1A00  }
0x1f: {  	[tilespmem:s8], [sflag:$0x1] =	stream.indirect.gather [hbm4b:s5+s12], $0x1, s6, s12, $0xb8;
	[tilespmem:$0x3920] =	vst v63  }
0x20: {  	s9 =	simm.s32 $0x148;
	s10 =	simm.s32 $0x1A80  }
0x21: {  	[tilespmem:s10], [sflag:$0x1] =	stream.indirect.gather [hbm4b:s5+s14], $0x1, s9, s14, $0xb8;
	[tilespmem:$0x3920] =	vst v63  }
0x22: {  	s13 =	simm.s32 $0x190;
	s15 =	simm.s32 $0x1B00  }
0x23: {  	[tilespmem:s15], [sflag:$0x1] =	stream.indirect.gather [hbm4b:s5+s12], $0x1, s13, s12, $0xb8;
	[tilespmem:$0x3920] =	vst v63  }
0x24: {  	s6 =	simm.s32 $0x210;
	s8 =	simm.s32 $0x1B80  }
0x25: {  	[tilespmem:s8], [sflag:$0x1] =	stream.indirect.gather [hbm4b:s5+s14], $0x1, s6, s14, $0xb8;
	[tilespmem:$0x3920] =	vst v63  }
0x26: {  	s9 =	simm.s32 $0x258;
	s10 =	simm.s32 $0x1C00  }
0x27: {  	[tilespmem:s10], [sflag:$0x1] =	stream.indirect.gather [hbm4b:s5+s12], $0x1, s9, s12, $0xb8;
	[tilespmem:$0x3920] =	vst v63  }
0x28: {  	s13 =	simm.s32 $0x2D8;
	s15 =	simm.s32 $0x1C80  }
0x29: {  	[tilespmem:s15], [sflag:$0x1] =	stream.indirect.gather [hbm4b:s5+s14], $0x1, s13, s14, $0xb8;
	[tilespmem:$0x3920] =	vst v63  }
0x2a: {  	s6 =	simm.s32 $0x320;
	s8 =	simm.s32 $0x1D00  }
0x2b: {  	[tilespmem:s8], [sflag:$0x1] =	stream.indirect.gather [hbm4b:s5+s12], $0x1, s6, s12, $0xb8;
	[tilespmem:$0x3920] =	vst v63  }
0x2c: {  	s9 =	simm.s32 $0x3A0;
	s10 =	simm.s32 $0x1D80  }
0x2d: {  	[tilespmem:s10], [sflag:$0x1] =	stream.indirect.gather [hbm4b:s5+s14], $0x1, s9, s14, $0xb8;
	[tilespmem:$0x3920] =	vst v63  }
0x2e: {  	s13 =	simm.s32 $0x3E8;
	s15 =	simm.s32 $0x1E00  }
0x2f: {  	[tilespmem:s15], [sflag:$0x1] =	stream.indirect.gather [hbm4b:s5+s12], $0x1, s13, s12, $0xb8;
	[tilespmem:$0x3920] =	vst v63  }
0x30: {  	s6 =	simm.s32 $0x468;
	s8 =	simm.s32 $0x1E80  }
0x31: {  	[tilespmem:s8], [sflag:$0x1] =	stream.indirect.gather [hbm4b:s5+s14], $0x1, s6, s14, $0xb8;
	[tilespmem:$0x3920] =	vst v63  }
0x32: {  	s9 =	simm.s32 $0x4B0;
	s10 =	simm.s32 $0x1F00  }
0x33: {  	[tilespmem:s10], [sflag:$0x1] =	stream.indirect.gather [hbm4b:s5+s12], $0x1, s9, s12, $0xb8;
	[tilespmem:$0x3920] =	vst v63  }
0x34: {  	s13 =	simm.s32 $0x530;
	s15 =	simm.s32 $0x1F80  }
0x35: {  	[tilespmem:s15], [sflag:$0x1] =	stream.indirect.gather [hbm4b:s5+s14], $0x1, s13, s14, $0xb8;
	[tilespmem:$0x3920] =	vst v63  }
0x36: {  	s6 =	simm.s32 $0x578;
	s8 =	simm.s32 $0x2000  }
0x37: {  	[tilespmem:s8], [sflag:$0x1] =	stream.indirect.gather [hbm4b:s5+s12], $0x1, s6, s12, $0xb8;
	[tilespmem:$0x3920] =	vst v63  }
0x38: {  	s9 =	simm.s32 $0x5F8;
	s10 =	simm.s32 $0x2080  }
0x39: {  	[tilespmem:s10], [sflag:$0x1] =	stream.indirect.gather [hbm4b:s5+s14], $0x1, s9, s14, $0xb8;
	[tilespmem:$0x3920] =	vst v63  }
0x3a: {  	s13 =	simm.s32 $0x640;
	s15 =	simm.s32 $0x2100  }
0x3b: {  	[tilespmem:s15], [sflag:$0x1] =	stream.indirect.gather [hbm4b:s5+s12], $0x1, s13, s12, $0xb8;
	[tilespmem:$0x3920] =	vst v63  }
0x3c: {  	s6 =	simm.s32 $0x6C0;
	s8 =	simm.s32 $0x2180  }
0x3d: {  	[tilespmem:s8], [sflag:$0x1] =	stream.indirect.gather [hbm4b:s5+s14], $0x1, s6, s14, $0xb8;
	[tilespmem:$0x3920] =	vst v63  }
0x3e: {  	s9 =	simm.s32 $0x708;
	s10 =	simm.s32 $0x2200  }
0x3f: {  	[tilespmem:s10], [sflag:$0x1] =	stream.indirect.gather [hbm4b:s5+s12], $0x1, s9, s12, $0xb8;
	[tilespmem:$0x3920] =	vst v63  }
0x40: {  	s13 =	simm.s32 $0x788;
	s15 =	simm.s32 $0x2280  }
0x41: {  	[tilespmem:s15], [sflag:$0x1] =	stream.indirect.gather [hbm4b:s5+s14], $0x1, s13, s14, $0xb8;
	[tilespmem:$0x3920] =	vst v63  }
0x42: {  	s6 =	simm.s32 $0x7D0;
	s8 =	simm.s32 $0x2300  }
0x43: {  	[tilespmem:s8], [sflag:$0x1] =	stream.indirect.gather [hbm4b:s5+s12], $0x1, s6, s12, $0xb8;
	[tilespmem:$0x3920] =	vst v63  }
0x44: {  	s9 =	simm.s32 $0x850;
	s10 =	simm.s32 $0x2380  }
0x45: {  	[tilespmem:s10], [sflag:$0x1] =	stream.indirect.gather [hbm4b:s5+s14], $0x1, s9, s14, $0xb8;
	[tilespmem:$0x3920] =	vst v63  }
0x46: {  	s13 =	simm.s32 $0x898;
	s15 =	simm.s32 $0x2400  }
0x47: {  	[tilespmem:s15], [sflag:$0x1] =	stream.indirect.gather [hbm4b:s5+s12], $0x1, s13, s12, $0xb8;
	[tilespmem:$0x3920] =	vst v63  }
0x48: {  	s6 =	simm.s32 $0x918;
	s8 =	simm.s32 $0x2480  }
0x49: {  	[tilespmem:s8], [sflag:$0x1] =	stream.indirect.gather [hbm4b:s5+s14], $0x1, s6, s14, $0xb8;
	[tilespmem:$0x3920] =	vst v63  }
0x4a: {  	s9 =	simm.s32 $0x960;
	s10 =	simm.s32 $0x2500  }
0x4b: {  	[tilespmem:s10], [sflag:$0x1] =	stream.indirect.gather [hbm4b:s5+s12], $0x1, s9, s12, $0xb8;
	[tilespmem:$0x3920] =	vst v63  }
0x4c: {  	s13 =	simm.s32 $0x9E0;
	s15 =	simm.s32 $0x2580  }
0x4d: {  	[tilespmem:s15], [sflag:$0x1] =	stream.indirect.gather [hbm4b:s5+s14], $0x1, s13, s14, $0xb8;
	[tilespmem:$0x3920] =	vst v63  }
0x4e: {  	s6 =	simm.s32 $0xA28;
	s8 =	simm.s32 $0x2600  }
0x4f: {  	[tilespmem:s8], [sflag:$0x1] =	stream.indirect.gather [hbm4b:s5+s12], $0x1, s6, s12, $0xb8;
	[tilespmem:$0x3920] =	vst v63  }
0x50: {  	s9 =	simm.s32 $0xAA8;
	s10 =	simm.s32 $0x2680  }
0x51: {  	[tilespmem:s10], [sflag:$0x1] =	stream.indirect.gather [hbm4b:s5+s14], $0x1, s9, s14, $0xb8;
	[tilespmem:$0x3920] =	vst v63  }
0x52: {  	s13 =	simm.s32 $0xAF0;
	s15 =	simm.s32 $0x2700  }
0x53: {  	[tilespmem:s15], [sflag:$0x1] =	stream.indirect.gather [hbm4b:s5+s12], $0x1, s13, s12, $0xb8;
	[tilespmem:$0x3920] =	vst v63  }
0x54: {  	s6 =	simm.s32 $0xB70;
	s8 =	simm.s32 $0x2780  }
0x55: {  	[tilespmem:s8], [sflag:$0x1] =	stream.indirect.gather [hbm4b:s5+s14], $0x1, s6, s14, $0xb8;
	[tilespmem:$0x3920] =	vst v63  }
0x56: {  	s9 =	simm.s32 $0xBB8;
	s10 =	simm.s32 $0x2800  }
0x57: {  	[tilespmem:s10], [sflag:$0x1] =	stream.indirect.gather [hbm4b:s5+s12], $0x1, s9, s12, $0xb8;
	[tilespmem:$0x3920] =	vst v63  }
0x58: {  	s0 =	simm.s32 $0x0;
	s13 =	simm.s32 $0xC38;
	s15 =	simm.s32 $0x2880  }
0x59: {  	[tilespmem:s15], [sflag:$0x1] =	stream.indirect.gather [hbm4b:s5+s14], $0x1, s13, s14, $0xb8;
	[tilespmem:$0x3920] =	vst v63  }
.LBB2_2:
0x5a: {  	s2 =	sshll.u32 s0, $0x1  }
0x5b: {  	s10 =	sadd.s32 s7, s2  }
0x5c: {  	s2 =	sor.u32 $0x1, s10  }
0x5d: {  	s6 =	smul.u32 $0x190, s2;
	_ =	sdelay $0x1  }
0x5e: {  	s8 =	sadd.s32 s1, s6;
	s6 =	simm.s32 $0x0  }
0x5f: {  	[tilespmem:s31], [sflag:$0x3] =	stream.linear.gather [hbm4b:s8+s6], $0xC80, $0x38;
	[tilespmem:$0x3920] =	vst v63  }
0x60: {  	_ =	swait.ge [sflag:s11], $0xC80  }
0x61: {  	[sflag:s11] =	ssyncset.done $0x0  }
0x62: {  	s13 =	simm.s32 $0x2900;
	[sflag:s11] =	ssyncadd.s32 $0xFFFFF380  }
0x63: {  	[tilespmem:s13], [sflag:$0x2] =	stream.indirect.gather [hbm4b:s5+s12], $0x1, s31, s12, $0xb8;
	[tilespmem:$0x3920] =	vst v63  }
0x64: {  	s15 =	simm.s32 $0xD00;
	s9 =	simm.s32 $0x2980  }
0x65: {  	[tilespmem:s9], [sflag:$0x2] =	stream.indirect.gather [hbm4b:s5+s14], $0x1, s15, s14, $0xb8;
	[tilespmem:$0x3920] =	vst v63  }
0x66: {  	s13 =	simm.s32 $0xD48;
	s15 =	simm.s32 $0x2A00  }
0x67: {  	[tilespmem:s15], [sflag:$0x2] =	stream.indirect.gather [hbm4b:s5+s12], $0x1, s13, s12, $0xb8;
	[tilespmem:$0x3920] =	vst v63  }
0x68: {  	s13 =	simm.s32 $0xDC8;
	s15 =	simm.s32 $0x2A80  }
0x69: {  	[tilespmem:s15], [sflag:$0x2] =	stream.indirect.gather [hbm4b:s5+s14], $0x1, s13, s14, $0xb8;
	[tilespmem:$0x3920] =	vst v63  }
0x6a: {  	s13 =	simm.s32 $0xE10;
	s15 =	simm.s32 $0x2B00  }
0x6b: {  	[tilespmem:s15], [sflag:$0x2] =	stream.indirect.gather [hbm4b:s5+s12], $0x1, s13, s12, $0xb8;
	[tilespmem:$0x3920] =	vst v63  }
0x6c: {  	s13 =	simm.s32 $0xE90;
	s15 =	simm.s32 $0x2B80  }
0x6d: {  	[tilespmem:s15], [sflag:$0x2] =	stream.indirect.gather [hbm4b:s5+s14], $0x1, s13, s14, $0xb8;
	[tilespmem:$0x3920] =	vst v63  }
0x6e: {  	s13 =	simm.s32 $0xED8;
	s15 =	simm.s32 $0x2C00  }
0x6f: {  	[tilespmem:s15], [sflag:$0x2] =	stream.indirect.gather [hbm4b:s5+s12], $0x1, s13, s12, $0xb8;
	[tilespmem:$0x3920] =	vst v63  }
0x70: {  	s13 =	simm.s32 $0xF58;
	s15 =	simm.s32 $0x2C80  }
0x71: {  	[tilespmem:s15], [sflag:$0x2] =	stream.indirect.gather [hbm4b:s5+s14], $0x1, s13, s14, $0xb8;
	[tilespmem:$0x3920] =	vst v63  }
0x72: {  	s13 =	simm.s32 $0xFA0;
	s15 =	simm.s32 $0x2D00  }
0x73: {  	[tilespmem:s15], [sflag:$0x2] =	stream.indirect.gather [hbm4b:s5+s12], $0x1, s13, s12, $0xb8;
	[tilespmem:$0x3920] =	vst v63  }
0x74: {  	s13 =	simm.s32 $0x1020;
	s15 =	simm.s32 $0x2D80  }
0x75: {  	[tilespmem:s15], [sflag:$0x2] =	stream.indirect.gather [hbm4b:s5+s14], $0x1, s13, s14, $0xb8;
	[tilespmem:$0x3920] =	vst v63  }
0x76: {  	s13 =	simm.s32 $0x1068;
	s15 =	simm.s32 $0x2E00  }
0x77: {  	[tilespmem:s15], [sflag:$0x2] =	stream.indirect.gather [hbm4b:s5+s12], $0x1, s13, s12, $0xb8;
	[tilespmem:$0x3920] =	vst v63  }
0x78: {  	s13 =	simm.s32 $0x10E8;
	s15 =	simm.s32 $0x2E80  }
0x79: {  	[tilespmem:s15], [sflag:$0x2] =	stream.indirect.gather [hbm4b:s5+s14], $0x1, s13, s14, $0xb8;
	[tilespmem:$0x3920] =	vst v63  }
0x7a: {  	s13 =	simm.s32 $0x1130;
	s15 =	simm.s32 $0x2F00  }
0x7b: {  	[tilespmem:s15], [sflag:$0x2] =	stream.indirect.gather [hbm4b:s5+s12], $0x1, s13, s12, $0xb8;
	[tilespmem:$0x3920] =	vst v63  }
0x7c: {  	s13 =	simm.s32 $0x11B0;
	s15 =	simm.s32 $0x2F80  }
0x7d: {  	[tilespmem:s15], [sflag:$0x2] =	stream.indirect.gather [hbm4b:s5+s14], $0x1, s13, s14, $0xb8;
	[tilespmem:$0x3920] =	vst v63  }
0x7e: {  	s13 =	simm.s32 $0x11F8;
	s15 =	simm.s32 $0x3000  }
0x7f: {  	[tilespmem:s15], [sflag:$0x2] =	stream.indirect.gather [hbm4b:s5+s12], $0x1, s13, s12, $0xb8;
	[tilespmem:$0x3920] =	vst v63  }
0x80: {  	s13 =	simm.s32 $0x1278;
	s15 =	simm.s32 $0x3080  }
0x81: {  	[tilespmem:s15], [sflag:$0x2] =	stream.indirect.gather [hbm4b:s5+s14], $0x1, s13, s14, $0xb8;
	[tilespmem:$0x3920] =	vst v63  }
0x82: {  	s13 =	simm.s32 $0x12C0;
	s15 =	simm.s32 $0x3100  }
0x83: {  	[tilespmem:s15], [sflag:$0x2] =	stream.indirect.gather [hbm4b:s5+s12], $0x1, s13, s12, $0xb8;
	[tilespmem:$0x3920] =	vst v63  }
0x84: {  	s13 =	simm.s32 $0x1340;
	s15 =	simm.s32 $0x3180  }
0x85: {  	[tilespmem:s15], [sflag:$0x2] =	stream.indirect.gather [hbm4b:s5+s14], $0x1, s13, s14, $0xb8;
	[tilespmem:$0x3920] =	vst v63  }
0x86: {  	s13 =	simm.s32 $0x1388;
	s15 =	simm.s32 $0x3200  }
0x87: {  	[tilespmem:s15], [sflag:$0x2] =	stream.indirect.gather [hbm4b:s5+s12], $0x1, s13, s12, $0xb8;
	[tilespmem:$0x3920] =	vst v63  }
0x88: {  	s13 =	simm.s32 $0x1408;
	s15 =	simm.s32 $0x3280  }
0x89: {  	[tilespmem:s15], [sflag:$0x2] =	stream.indirect.gather [hbm4b:s5+s14], $0x1, s13, s14, $0xb8;
	[tilespmem:$0x3920] =	vst v63  }
0x8a: {  	s13 =	simm.s32 $0x1450;
	s15 =	simm.s32 $0x3300  }
0x8b: {  	[tilespmem:s15], [sflag:$0x2] =	stream.indirect.gather [hbm4b:s5+s12], $0x1, s13, s12, $0xb8;
	[tilespmem:$0x3920] =	vst v63  }
0x8c: {  	s13 =	simm.s32 $0x14D0;
	s15 =	simm.s32 $0x3380  }
0x8d: {  	[tilespmem:s15], [sflag:$0x2] =	stream.indirect.gather [hbm4b:s5+s14], $0x1, s13, s14, $0xb8;
	[tilespmem:$0x3920] =	vst v63  }
0x8e: {  	s13 =	simm.s32 $0x1518;
	s15 =	simm.s32 $0x3400  }
0x8f: {  	[tilespmem:s15], [sflag:$0x2] =	stream.indirect.gather [hbm4b:s5+s12], $0x1, s13, s12, $0xb8;
	[tilespmem:$0x3920] =	vst v63  }
0x90: {  	s13 =	simm.s32 $0x1598;
	s15 =	simm.s32 $0x3480  }
0x91: {  	[tilespmem:s15], [sflag:$0x2] =	stream.indirect.gather [hbm4b:s5+s14], $0x1, s13, s14, $0xb8;
	[tilespmem:$0x3920] =	vst v63  }
0x92: {  	s13 =	simm.s32 $0x15E0;
	s15 =	simm.s32 $0x3500  }
0x93: {  	[tilespmem:s15], [sflag:$0x2] =	stream.indirect.gather [hbm4b:s5+s12], $0x1, s13, s12, $0xb8;
	[tilespmem:$0x3920] =	vst v63  }
0x94: {  	s13 =	simm.s32 $0x1660;
	s15 =	simm.s32 $0x3580  }
0x95: {  	[tilespmem:s15], [sflag:$0x2] =	stream.indirect.gather [hbm4b:s5+s14], $0x1, s13, s14, $0xb8;
	[tilespmem:$0x3920] =	vst v63  }
0x96: {  	s9 =	simm.s32 $0x16A8  }
0x97: {  	[tilespmem:s16], [sflag:$0x2] =	stream.indirect.gather [hbm4b:s5+s12], $0x1, s9, s12, $0xb8;
	[tilespmem:$0x3920] =	vst v63  }
0x98: {  	_ = 	snop  }
0x99: {  	[tilespmem:s18], [sflag:$0x2] =	stream.indirect.gather [hbm4b:s5+s14], $0x1, s17, s14, $0xb8;
	[tilespmem:$0x3920] =	vst v63  }
0x9a: {  	_ = 	snop  }
0x9b: {  	[tilespmem:s20], [sflag:$0x2] =	stream.indirect.gather [hbm4b:s5+s12], $0x1, s19, s12, $0xb8;
	[tilespmem:$0x3920] =	vst v63  }
0x9c: {  	_ = 	snop  }
0x9d: {  	[tilespmem:s22], [sflag:$0x2] =	stream.indirect.gather [hbm4b:s5+s14], $0x1, s21, s14, $0xb8;
	[tilespmem:$0x3920] =	vst v63  }
0x9e: {  	_ = 	snop  }
0x9f: {  	[tilespmem:s24], [sflag:$0x2] =	stream.indirect.gather [hbm4b:s5+s12], $0x1, s23, s12, $0xb8;
	[tilespmem:$0x3920] =	vst v63  }
0xa0: {  	_ = 	snop  }
0xa1: {  	[tilespmem:s26], [sflag:$0x2] =	stream.indirect.gather [hbm4b:s5+s14], $0x1, s25, s14, $0xb8;
	[tilespmem:$0x3920] =	vst v63  }
0xa2: {  	_ =	swait.ge [sflag:s28], $0x80  }
0xa3: {  	[sflag:s28] =	ssyncset.done $0x0  }
0xa4: {  	[sflag:s28] =	ssyncadd.s32 $0xFFFFFF80  }
0xa5: {  	_ =	swait.ge [sflag:s28], $0x48  }
0xa6: {  	[sflag:s28] =	ssyncset.done $0x0  }
0xa7: {  	[sflag:s28] =	ssyncadd.s32 $0xFFFFFFB8  }
0xa8: {  	_ =	swait.ge [sflag:s28], $0x80  }
0xa9: {  	[sflag:s28] =	ssyncset.done $0x0  }
0xaa: {  	[sflag:s28] =	ssyncadd.s32 $0xFFFFFF80  }
0xab: {  	_ =	swait.ge [sflag:s28], $0x48  }
0xac: {  	[sflag:s28] =	ssyncset.done $0x0  }
0xad: {  	[sflag:s28] =	ssyncadd.s32 $0xFFFFFFB8  }
0xae: {  	_ =	swait.ge [sflag:s28], $0x80  }
0xaf: {  	[sflag:s28] =	ssyncset.done $0x0  }
0xb0: {  	[sflag:s28] =	ssyncadd.s32 $0xFFFFFF80  }
0xb1: {  	_ =	swait.ge [sflag:s28], $0x48  }
0xb2: {  	[sflag:s28] =	ssyncset.done $0x0  }
0xb3: {  	[sflag:s28] =	ssyncadd.s32 $0xFFFFFFB8  }
0xb4: {  	_ =	swait.ge [sflag:s28], $0x80  }
0xb5: {  	[sflag:s28] =	ssyncset.done $0x0  }
0xb6: {  	[sflag:s28] =	ssyncadd.s32 $0xFFFFFF80  }
0xb7: {  	_ =	swait.ge [sflag:s28], $0x48  }
0xb8: {  	[sflag:s28] =	ssyncset.done $0x0  }
0xb9: {  	[sflag:s28] =	ssyncadd.s32 $0xFFFFFFB8  }
0xba: {  	_ =	swait.ge [sflag:s28], $0x80  }
0xbb: {  	[sflag:s28] =	ssyncset.done $0x0  }
0xbc: {  	[sflag:s28] =	ssyncadd.s32 $0xFFFFFF80  }
0xbd: {  	_ =	swait.ge [sflag:s28], $0x48  }
0xbe: {  	[sflag:s28] =	ssyncset.done $0x0  }
0xbf: {  	[sflag:s28] =	ssyncadd.s32 $0xFFFFFFB8  }
0xc0: {  	_ =	swait.ge [sflag:s28], $0x80  }
0xc1: {  	[sflag:s28] =	ssyncset.done $0x0  }
0xc2: {  	[sflag:s28] =	ssyncadd.s32 $0xFFFFFF80  }
0xc3: {  	_ =	swait.ge [sflag:s28], $0x48  }
0xc4: {  	[sflag:s28] =	ssyncset.done $0x0  }
0xc5: {  	[sflag:s28] =	ssyncadd.s32 $0xFFFFFFB8  }
0xc6: {  	_ =	swait.ge [sflag:s28], $0x80  }
0xc7: {  	[sflag:s28] =	ssyncset.done $0x0  }
0xc8: {  	[sflag:s28] =	ssyncadd.s32 $0xFFFFFF80  }
0xc9: {  	_ =	swait.ge [sflag:s28], $0x48  }
0xca: {  	[sflag:s28] =	ssyncset.done $0x0  }
0xcb: {  	[sflag:s28] =	ssyncadd.s32 $0xFFFFFFB8  }
0xcc: {  	_ =	swait.ge [sflag:s28], $0x80  }
0xcd: {  	[sflag:s28] =	ssyncset.done $0x0  }
0xce: {  	[sflag:s28] =	ssyncadd.s32 $0xFFFFFF80  }
0xcf: {  	_ =	swait.ge [sflag:s28], $0x48  }
0xd0: {  	[sflag:s28] =	ssyncset.done $0x0  }
0xd1: {  	[sflag:s28] =	ssyncadd.s32 $0xFFFFFFB8  }
0xd2: {  	_ =	swait.ge [sflag:s28], $0x80  }
0xd3: {  	[sflag:s28] =	ssyncset.done $0x0  }
0xd4: {  	[sflag:s28] =	ssyncadd.s32 $0xFFFFFF80  }
0xd5: {  	_ =	swait.ge [sflag:s28], $0x48  }
0xd6: {  	[sflag:s28] =	ssyncset.done $0x0  }
0xd7: {  	[sflag:s28] =	ssyncadd.s32 $0xFFFFFFB8  }
0xd8: {  	_ =	swait.ge [sflag:s28], $0x80  }
0xd9: {  	[sflag:s28] =	ssyncset.done $0x0  }
0xda: {  	[sflag:s28] =	ssyncadd.s32 $0xFFFFFF80  }
0xdb: {  	_ =	swait.ge [sflag:s28], $0x48  }
0xdc: {  	[sflag:s28] =	ssyncset.done $0x0  }
0xdd: {  	[sflag:s28] =	ssyncadd.s32 $0xFFFFFFB8  }
0xde: {  	_ =	swait.ge [sflag:s28], $0x80  }
0xdf: {  	[sflag:s28] =	ssyncset.done $0x0  }
0xe0: {  	[sflag:s28] =	ssyncadd.s32 $0xFFFFFF80  }
0xe1: {  	_ =	swait.ge [sflag:s28], $0x48  }
0xe2: {  	[sflag:s28] =	ssyncset.done $0x0  }
0xe3: {  	[sflag:s28] =	ssyncadd.s32 $0xFFFFFFB8  }
0xe4: {  	_ =	swait.ge [sflag:s28], $0x80  }
0xe5: {  	[sflag:s28] =	ssyncset.done $0x0  }
0xe6: {  	[sflag:s28] =	ssyncadd.s32 $0xFFFFFF80  }
0xe7: {  	_ =	swait.ge [sflag:s28], $0x48  }
0xe8: {  	[sflag:s28] =	ssyncset.done $0x0  }
0xe9: {  	[sflag:s28] =	ssyncadd.s32 $0xFFFFFFB8  }
0xea: {  	_ =	swait.ge [sflag:s28], $0x80  }
0xeb: {  	[sflag:s28] =	ssyncset.done $0x0  }
0xec: {  	[sflag:s28] =	ssyncadd.s32 $0xFFFFFF80  }
0xed: {  	_ =	swait.ge [sflag:s28], $0x48  }
0xee: {  	[sflag:s28] =	ssyncset.done $0x0  }
0xef: {  	[sflag:s28] =	ssyncadd.s32 $0xFFFFFFB8  }
0xf0: {  	_ =	swait.ge [sflag:s28], $0x80  }
0xf1: {  	[sflag:s28] =	ssyncset.done $0x0  }
0xf2: {  	[sflag:s28] =	ssyncadd.s32 $0xFFFFFF80  }
0xf3: {  	_ =	swait.ge [sflag:s28], $0x48  }
0xf4: {  	[sflag:s28] =	ssyncset.done $0x0  }
0xf5: {  	[sflag:s28] =	ssyncadd.s32 $0xFFFFFFB8  }
0xf6: {  	_ =	swait.ge [sflag:s28], $0x80  }
0xf7: {  	[sflag:s28] =	ssyncset.done $0x0  }
0xf8: {  	[sflag:s28] =	ssyncadd.s32 $0xFFFFFF80  }
0xf9: {  	_ =	swait.ge [sflag:s28], $0x48  }
0xfa: {  	[sflag:s28] =	ssyncset.done $0x0  }
0xfb: {  	[sflag:s28] =	ssyncadd.s32 $0xFFFFFFB8  }
0xfc: {  	_ =	swait.ge [sflag:s28], $0x80  }
0xfd: {  	[sflag:s28] =	ssyncset.done $0x0  }
0xfe: {  	[sflag:s28] =	ssyncadd.s32 $0xFFFFFF80  }
0xff: {  	_ =	swait.ge [sflag:s28], $0x48  }
0x100: {  	[sflag:s28] =	ssyncset.done $0x0  }
0x101: {  	s13 =	simm.s32 $0x1960;
	[sflag:s28] =	ssyncadd.s32 $0xFFFFFFB8  }
0x102: {  	v5 =	vld [tilespmem:s13+$0xFFFFFFA0]  }
0x103: {  	v6 =	vld [tilespmem:s13+$0xFFFFFFB0]  }
0x104: {  	v7 =	vld [tilespmem:s13+$0xFFFFFFC0]  }
0x105: {  	v8 =	vld [tilespmem:s13+$0xFFFFFFD0]  }
0x106: {  	v9 =	vld [tilespmem:s13+$0xFFFFFFE0]  }
0x107: {  	v10 =	vld [tilespmem:s13+$0xFFFFFFF0]  }
0x108: {  	v11 =	vld [tilespmem:s13+$0x0];
	v5 =	vadd.f32 $0.0e+00, v5;
	v6 =	vadd.f32 $0.0e+00, v6  }
0x109: {  	v12 =	vld [tilespmem:s13+$0x10]  }
0x10a: {  	v5 =	vadd.f32 v7, v5;
	v6 =	vadd.f32 v8, v6;
	v7 =	vld [tilespmem:s13+$0x20]  }
0x10b: {  	v8 =	vld [tilespmem:s13+$0x30]  }
0x10c: {  	v5 =	vadd.f32 v9, v5;
	v6 =	vadd.f32 v10, v6;
	v9 =	vld [tilespmem:s13+$0x40]  }
0x10d: {  	s15 =	simm.s32 $0x1A60;
	v10 =	vld [tilespmem:s13+$0x50]  }
0x10e: {  	v13 =	vld [tilespmem:s15+$0xFFFFFFB0];
	v5 =	vadd.f32 v11, v5;
	v6 =	vadd.f32 v12, v6  }
0x10f: {  	v11 =	vld [tilespmem:s13+$0x60]  }
0x110: {  	v12 =	vld [tilespmem:s15+$0xFFFFFFA0];
	v5 =	vadd.f32 v7, v5;
	v6 =	vadd.f32 v8, v6  }
0x111: {  	v7 =	vld [tilespmem:s15+$0xFFFFFFC0]  }
0x112: {  	v8 =	vld [tilespmem:s15+$0xFFFFFFD0];
	v5 =	vadd.f32 v9, v5;
	v6 =	vadd.f32 v10, v6  }
0x113: {  	v9 =	vld [tilespmem:s15+$0xFFFFFFE0]  }
0x114: {  	v10 =	vld [tilespmem:s15+$0xFFFFFFF0];
	v5 =	vadd.f32 v6, v5  }
0x115: {  	v14 =	vld [tilespmem:s15+$0x10];
	v11 =	vnsel vm0, $0x0, v11;
	v6 =	vadd.f32 $0.0e+00, v12;
	v12 =	vadd.f32 $0.0e+00, v13  }
0x116: {  	v13 =	vld [tilespmem:s15+$0x0];
	v5 =	vadd.f32 v11, v5  }
0x117: {  	v6 =	vadd.f32 v7, v6;
	v7 =	vadd.f32 v8, v12;
	v11 =	vld [tilespmem:s15+$0x20]  }
0x118: {  	v12 =	vld [tilespmem:s15+$0x30];
	v8 =	vperm.xlane v5, v0  }
0x119: {  	v15 =	vadd.f32 v9, v6;
	v10 =	vadd.f32 v10, v7;
	v7 =	vld [tilespmem:s15+$0x40]  }
0x11a: {  	v9 =	vld [tilespmem:s15+$0x50];
	v6 =	vadd.f32 v5, v8  }
0x11b: {  	s13 =	simm.s32 $0x1B60;
	v15 =	vadd.f32 v13, v15;
	v16 =	vadd.f32 v14, v10;
	v8 =	vld [tilespmem:s15+$0x60]  }
0x11c: {  	v13 =	vld [tilespmem:s13+$0xFFFFFFA0];
	v10 =	vperm.xlane v6, v1  }
0x11d: {  	s8 =	simm.s32 $0x1;
	s9 =	simm.s32 $0x2;
	v5 =	vimm.f32 $0.0e+00;
	v14 =	vld [tilespmem:s13+$0xFFFFFFB0];
	s15 =	simm.s32 $0x3;
	v11 =	vadd.f32 v11, v15;
	v12 =	vadd.f32 v12, v16  }
.LBB2_3:
0x11e: {  	p0 =	sne.s32 s15, $0xF;
	v15 =	vld [tilespmem:s13+$0xFFFFFFC0];
	v6 =	vadd.f32 v6, v10  }
0x11f: {  	v10 =	vld [tilespmem:s13+$0xFFFFFFD0];
	v7 =	vadd.f32 v7, v11;
	v9 =	vadd.f32 v9, v12  }
0x120: {  	v11 =	vld [tilespmem:s13+$0xFFFFFFE0];
	v12 =	vperm.xlane v6, v2  }
0x121: {  	v13 =	vadd.f32 $0.0e+00, v13;
	v16 =	vld [tilespmem:s13+$0xFFFFFFF0];
	v7 =	vadd.f32 v9, v7  }
0x122: {  	v8 =	vnsel vm0, $0x0, v8;
	v9 =	vadd.f32 $0.0e+00, v14;
	v14 =	vld [tilespmem:s13+$0x0];
	v6 =	vadd.f32 v6, v12  }
0x123: {  	v12 =	vadd.f32 v15, v13;
	v13 =	vld [tilespmem:s13+$0x10];
	v8 =	vadd.f32 v8, v7  }
0x124: {  	v7 =	vadd.f32 v10, v9;
	v15 =	vld [tilespmem:s13+$0x20];
	v9 =	vperm.xlane v6, v3  }
0x125: {  	v10 =	vadd.f32 v11, v12;
	v12 =	vld [tilespmem:s13+$0x30];
	v11 =	vperm.xlane v8, v0  }
.Ltmp0:
0x126: {  	v18 =	vmov s6;
	s6 =	smov.u32 s8;
	s8 =	smov.u32 s9;
	v16 =	vadd.f32 v16, v7;
	v7 =	vld [tilespmem:s13+$0x40];
	v17 =	vadd.f32 v6, v9;
	(pc) =	sbr.rel @p0 .LBB2_3-.Ltmp0, $4  }
0x127: {  	s9 =	smov.u32 s15;
	vm1 =	veq.s32 v18, v4;
	v9 =	vld [tilespmem:s13+$0x50];
	v6 =	vadd.f32 v8, v11  }
0x128: {  	v11 =	vadd.f32 v14, v10;
	v16 =	vadd.f32 v13, v16;
	v8 =	vld [tilespmem:s13+$0x60];
	s13 =	sadd.s32 $0x100, s13;
	v5 =	vsel vm1, v17, v5  }
0x129: {  	v13 =	vld [tilespmem:s13+$0xFFFFFFA0];
	v10 =	vperm.xlane v6, v1  }
0x12a: {  	s15 =	sadd.s32 $0x1, s15;
	v11 =	vadd.f32 v15, v11;
	v14 =	vld [tilespmem:s13+$0xFFFFFFB0];
	v12 =	vadd.f32 v12, v16  }
0x12b: {  	v15 =	vld [tilespmem:s13+$0xFFFFFFC0]  }
0x12c: {  	v16 =	vld [tilespmem:s13+$0xFFFFFFD0]  }
0x12d: {  	v17 =	vld [tilespmem:s13+$0xFFFFFFE0]  }
0x12e: {  	v18 =	vld [tilespmem:s13+$0xFFFFFFF0]  }
0x12f: {  	v19 =	vld [tilespmem:s13+$0x0];
	v13 =	vadd.f32 $0.0e+00, v13;
	v14 =	vadd.f32 $0.0e+00, v14  }
0x130: {  	v20 =	vld [tilespmem:s13+$0x10]  }
0x131: {  	v46 =	vld [tilespmem:s13+$0x20];
	v13 =	vadd.f32 v15, v13;
	v14 =	vadd.f32 v16, v14  }
0x132: {  	v47 =	vld [tilespmem:s13+$0x30]  }
0x133: {  	v48 =	vld [tilespmem:s13+$0x40];
	v13 =	vadd.f32 v17, v13;
	v14 =	vadd.f32 v18, v14  }
0x134: {  	v49 =	vld [tilespmem:s13+$0x50]  }
0x135: {  	v13 =	vadd.f32 v19, v13;
	v14 =	vadd.f32 v20, v14;
	_ =	sdelay $0x1  }
0x136: {  	v50 =	vld [tilespmem:s13+$0x60];
	v13 =	vadd.f32 v46, v13;
	v14 =	vadd.f32 v47, v14  }
0x137: {  	v7 =	vadd.f32 v7, v11;
	v9 =	vadd.f32 v9, v12  }
0x138: {  	v51 =	vadd.f32 v48, v13;
	v52 =	vadd.f32 v49, v14  }
0x139: {  	v7 =	vadd.f32 v9, v7  }
0x13a: {  	v8 =	vnsel vm0, $0x0, v8;
	v53 =	vadd.f32 v52, v51  }
0x13b: {  	v7 =	vadd.f32 v8, v7;
	v54 =	vnsel vm0, $0x0, v50  }
0x13c: {  	v8 =	vadd.f32 v54, v53  }
0x13d: {  	v55 =	vperm.xlane v7, v0  }
0x13e: {  	v56 =	vperm.xlane v8, v0  }
0x13f: {  	v7 =	vadd.f32 v7, v55  }
0x140: {  	v8 =	vadd.f32 v8, v56  }
0x141: {  	v6 =	vadd.f32 v6, v10;
	v9 =	vperm.xlane v7, v1  }
0x142: {  	v57 =	vperm.xlane v8, v1  }
0x143: {  	v58 =	vperm.xlane v6, v2;
	v7 =	vadd.f32 v7, v9  }
0x144: {  	v8 =	vadd.f32 v8, v57  }
0x145: {  	v6 =	vadd.f32 v6, v58;
	v9 =	vperm.xlane v7, v2  }
0x146: {  	v10 =	vperm.xlane v8, v2  }
0x147: {  	v11 =	vperm.xlane v6, v3;
	v7 =	vadd.f32 v7, v9  }
0x148: {  	v8 =	vadd.f32 v8, v10  }
0x149: {  	v59 =	vmov s6;
	v6 =	vadd.f32 v6, v11;
	v60 =	vperm.xlane v7, v3  }
0x14a: {  	v62 =	vld [tilespmem:$0x3900];
	vm1 =	veq.s32 v59, v4;
	v61 =	vperm.xlane v8, v3  }
0x14b: {  	v5 =	vsel vm1, v6, v5;
	v6 =	vadd.f32 v7, v60;
	v7 =	vmov s8  }
0x14c: {  	v63 =	vmov s9;
	vm1 =	veq.s32 v7, v4;
	v7 =	vadd.f32 v8, v61  }
0x14d: {  	v5 =	vsel vm1, v6, v5;
	vm1 =	veq.s32 v63, v4  }
0x14e: {  	v5 =	vsel vm1, v7, v5  }
0x14f: {  	v5 =	vadd.f32 v62, v5;
	_ =	sdelay $0x1  }
0x150: {  	v5 =	vsub.f32 $0.0e+00, v5;
	_ =	sdelay $0x1  }
0x151: {  	v5 =	vmul.f32 $1.442695020e+00, v5;
	_ =	sdelay $0x1  }
0x152: {  	(erf) = vpow2.f32 v5;
	_ =	sdelay $0x8  }
0x153: {  	v5 =	vpop (erf)  }
0x154: {  	v5 =	vadd.f32 $1.000000000e+00, v5;
	_ =	sdelay $0x1  }
0x155: {  	(erf) = vrcp.f32 v5;
	_ =	sdelay $0x8  }
0x156: {  	v5 =	vpop (erf)  }
0x157: {  	v5 =	vmul.f32 $1.000000000e+04, v5;
	_ =	sdelay $0x1  }
0x158: {  	v5 =	vadd.f32 $5.000000000e-01, v5;
	_ =	sdelay $0x1  }
0x159: {  	v5 =	vtrunc.f32 v5  }
0x15a: {  	v5 =	vcvt.f32.s32 v5;
	_ =	sdelay $0x1  }
0x15b: {  	v5 =	vcvt.s32.f32 v5;
	_ =	sdelay $0x1  }
0x15c: {  	v5 =	vmul.f32 $9.999999740e-05, v5  }
0x15d: {  	s15 =	sshll.u32 s10, $0x1;
	p0 =	seq.s32 s0, $0xF  }
.Ltmp1:
0x15e: {  	s6 =	sadd.s32 s3, s15;
	[tilespmem:$0x3910] =	vst v5;
	(pc) =	sbr.rel @p0 .LBB2_6-.Ltmp1, $4  }
0x15f: {  	[hbm4b:s6+s4] =	stream.linear.scatter [tilespmem:s29], [sflag:$0x3], $0x10, $0x38;
	[tilespmem:$0x3920] =	vst v63  }
0x160: {  	_ =	swait.ge [sflag:s11], $0x10  }
0x161: {  	[sflag:s11] =	ssyncset.done $0x0  }
0x162: {  	[sflag:s11] =	ssyncadd.s32 $0xFFFFFFF0  }
0x163: {  	s6 =	smul.u32 $0xC80, s10;
	_ =	sdelay $0x1  }
0x164: {  	s6 =	sshrl.u32 s6, $0x3  }
0x165: {  	s6 =	sadd.s32 s1, s6  }
0x166: {  	s6 =	sadd.s32 $0x320, s6  }
0x167: {  	[tilespmem:s4], [sflag:$0x3] =	stream.linear.gather [hbm4b:s6+s4], $0xC80, $0x38;
	[tilespmem:$0x3920] =	vst v63  }
0x168: {  	_ =	swait.ge [sflag:s11], $0xC80  }
0x169: {  	[sflag:s11] =	ssyncset.done $0x0  }
0x16a: {  	s8 =	simm.s32 $0x1900;
	[sflag:s11] =	ssyncadd.s32 $0xFFFFF380  }
0x16b: {  	[tilespmem:s8], [sflag:$0x1] =	stream.indirect.gather [hbm4b:s5+s12], $0x1, s4, s12, $0xb8;
	[tilespmem:$0x3920] =	vst v63  }
0x16c: {  	s9 =	simm.s32 $0x1980  }
0x16d: {  	[tilespmem:s9], [sflag:$0x1] =	stream.indirect.gather [hbm4b:s5+s14], $0x1, s12, s14, $0xb8;
	[tilespmem:$0x3920] =	vst v63  }
0x16e: {  	s10 =	simm.s32 $0xC8;
	s8 =	simm.s32 $0x1A00  }
0x16f: {  	[tilespmem:s8], [sflag:$0x1] =	stream.indirect.gather [hbm4b:s5+s12], $0x1, s10, s12, $0xb8;
	[tilespmem:$0x3920] =	vst v63  }
0x170: {  	s13 =	simm.s32 $0x148;
	s15 =	simm.s32 $0x1A80  }
0x171: {  	[tilespmem:s15], [sflag:$0x1] =	stream.indirect.gather [hbm4b:s5+s14], $0x1, s13, s14, $0xb8;
	[tilespmem:$0x3920] =	vst v63  }
0x172: {  	s9 =	simm.s32 $0x190;
	s10 =	simm.s32 $0x1B00  }
0x173: {  	[tilespmem:s10], [sflag:$0x1] =	stream.indirect.gather [hbm4b:s5+s12], $0x1, s9, s12, $0xb8;
	[tilespmem:$0x3920] =	vst v63  }
0x174: {  	s13 =	simm.s32 $0x210;
	s15 =	simm.s32 $0x1B80  }
0x175: {  	[tilespmem:s15], [sflag:$0x1] =	stream.indirect.gather [hbm4b:s5+s14], $0x1, s13, s14, $0xb8;
	[tilespmem:$0x3920] =	vst v63  }
0x176: {  	s9 =	simm.s32 $0x258;
	s10 =	simm.s32 $0x1C00  }
0x177: {  	[tilespmem:s10], [sflag:$0x1] =	stream.indirect.gather [hbm4b:s5+s12], $0x1, s9, s12, $0xb8;
	[tilespmem:$0x3920] =	vst v63  }
0x178: {  	s13 =	simm.s32 $0x2D8;
	s15 =	simm.s32 $0x1C80  }
0x179: {  	[tilespmem:s15], [sflag:$0x1] =	stream.indirect.gather [hbm4b:s5+s14], $0x1, s13, s14, $0xb8;
	[tilespmem:$0x3920] =	vst v63  }
0x17a: {  	s9 =	simm.s32 $0x320;
	s10 =	simm.s32 $0x1D00  }
0x17b: {  	[tilespmem:s10], [sflag:$0x1] =	stream.indirect.gather [hbm4b:s5+s12], $0x1, s9, s12, $0xb8;
	[tilespmem:$0x3920] =	vst v63  }
0x17c: {  	s13 =	simm.s32 $0x3A0;
	s15 =	simm.s32 $0x1D80  }
0x17d: {  	[tilespmem:s15], [sflag:$0x1] =	stream.indirect.gather [hbm4b:s5+s14], $0x1, s13, s14, $0xb8;
	[tilespmem:$0x3920] =	vst v63  }
0x17e: {  	s9 =	simm.s32 $0x3E8;
	s10 =	simm.s32 $0x1E00  }
0x17f: {  	[tilespmem:s10], [sflag:$0x1] =	stream.indirect.gather [hbm4b:s5+s12], $0x1, s9, s12, $0xb8;
	[tilespmem:$0x3920] =	vst v63  }
0x180: {  	s13 =	simm.s32 $0x468;
	s15 =	simm.s32 $0x1E80  }
0x181: {  	[tilespmem:s15], [sflag:$0x1] =	stream.indirect.gather [hbm4b:s5+s14], $0x1, s13, s14, $0xb8;
	[tilespmem:$0x3920] =	vst v63  }
0x182: {  	s9 =	simm.s32 $0x4B0;
	s10 =	simm.s32 $0x1F00  }
0x183: {  	[tilespmem:s10], [sflag:$0x1] =	stream.indirect.gather [hbm4b:s5+s12], $0x1, s9, s12, $0xb8;
	[tilespmem:$0x3920] =	vst v63  }
0x184: {  	s13 =	simm.s32 $0x530;
	s15 =	simm.s32 $0x1F80  }
0x185: {  	[tilespmem:s15], [sflag:$0x1] =	stream.indirect.gather [hbm4b:s5+s14], $0x1, s13, s14, $0xb8;
	[tilespmem:$0x3920] =	vst v63  }
0x186: {  	s9 =	simm.s32 $0x578;
	s10 =	simm.s32 $0x2000  }
0x187: {  	[tilespmem:s10], [sflag:$0x1] =	stream.indirect.gather [hbm4b:s5+s12], $0x1, s9, s12, $0xb8;
	[tilespmem:$0x3920] =	vst v63  }
0x188: {  	s13 =	simm.s32 $0x5F8;
	s15 =	simm.s32 $0x2080  }
0x189: {  	[tilespmem:s15], [sflag:$0x1] =	stream.indirect.gather [hbm4b:s5+s14], $0x1, s13, s14, $0xb8;
	[tilespmem:$0x3920] =	vst v63  }
0x18a: {  	s9 =	simm.s32 $0x640;
	s10 =	simm.s32 $0x2100  }
0x18b: {  	[tilespmem:s10], [sflag:$0x1] =	stream.indirect.gather [hbm4b:s5+s12], $0x1, s9, s12, $0xb8;
	[tilespmem:$0x3920] =	vst v63  }
0x18c: {  	s13 =	simm.s32 $0x6C0;
	s15 =	simm.s32 $0x2180  }
0x18d: {  	[tilespmem:s15], [sflag:$0x1] =	stream.indirect.gather [hbm4b:s5+s14], $0x1, s13, s14, $0xb8;
	[tilespmem:$0x3920] =	vst v63  }
0x18e: {  	s9 =	simm.s32 $0x708;
	s10 =	simm.s32 $0x2200  }
0x18f: {  	[tilespmem:s10], [sflag:$0x1] =	stream.indirect.gather [hbm4b:s5+s12], $0x1, s9, s12, $0xb8;
	[tilespmem:$0x3920] =	vst v63  }
0x190: {  	s13 =	simm.s32 $0x788;
	s15 =	simm.s32 $0x2280  }
0x191: {  	[tilespmem:s15], [sflag:$0x1] =	stream.indirect.gather [hbm4b:s5+s14], $0x1, s13, s14, $0xb8;
	[tilespmem:$0x3920] =	vst v63  }
0x192: {  	s9 =	simm.s32 $0x7D0;
	s10 =	simm.s32 $0x2300  }
0x193: {  	[tilespmem:s10], [sflag:$0x1] =	stream.indirect.gather [hbm4b:s5+s12], $0x1, s9, s12, $0xb8;
	[tilespmem:$0x3920] =	vst v63  }
0x194: {  	s13 =	simm.s32 $0x850;
	s15 =	simm.s32 $0x2380  }
0x195: {  	[tilespmem:s15], [sflag:$0x1] =	stream.indirect.gather [hbm4b:s5+s14], $0x1, s13, s14, $0xb8;
	[tilespmem:$0x3920] =	vst v63  }
0x196: {  	s9 =	simm.s32 $0x898;
	s10 =	simm.s32 $0x2400  }
0x197: {  	[tilespmem:s10], [sflag:$0x1] =	stream.indirect.gather [hbm4b:s5+s12], $0x1, s9, s12, $0xb8;
	[tilespmem:$0x3920] =	vst v63  }
0x198: {  	s13 =	simm.s32 $0x918;
	s15 =	simm.s32 $0x2480  }
0x199: {  	[tilespmem:s15], [sflag:$0x1] =	stream.indirect.gather [hbm4b:s5+s14], $0x1, s13, s14, $0xb8;
	[tilespmem:$0x3920] =	vst v63  }
0x19a: {  	s9 =	simm.s32 $0x960;
	s10 =	simm.s32 $0x2500  }
0x19b: {  	[tilespmem:s10], [sflag:$0x1] =	stream.indirect.gather [hbm4b:s5+s12], $0x1, s9, s12, $0xb8;
	[tilespmem:$0x3920] =	vst v63  }
0x19c: {  	s13 =	simm.s32 $0x9E0;
	s15 =	simm.s32 $0x2580  }
0x19d: {  	[tilespmem:s15], [sflag:$0x1] =	stream.indirect.gather [hbm4b:s5+s14], $0x1, s13, s14, $0xb8;
	[tilespmem:$0x3920] =	vst v63  }
0x19e: {  	s9 =	simm.s32 $0xA28;
	s10 =	simm.s32 $0x2600  }
0x19f: {  	[tilespmem:s10], [sflag:$0x1] =	stream.indirect.gather [hbm4b:s5+s12], $0x1, s9, s12, $0xb8;
	[tilespmem:$0x3920] =	vst v63  }
0x1a0: {  	s13 =	simm.s32 $0xAA8;
	s15 =	simm.s32 $0x2680  }
0x1a1: {  	[tilespmem:s15], [sflag:$0x1] =	stream.indirect.gather [hbm4b:s5+s14], $0x1, s13, s14, $0xb8;
	[tilespmem:$0x3920] =	vst v63  }
0x1a2: {  	s9 =	simm.s32 $0xAF0;
	s10 =	simm.s32 $0x2700  }
0x1a3: {  	[tilespmem:s10], [sflag:$0x1] =	stream.indirect.gather [hbm4b:s5+s12], $0x1, s9, s12, $0xb8;
	[tilespmem:$0x3920] =	vst v63  }
0x1a4: {  	s13 =	simm.s32 $0xB70;
	s15 =	simm.s32 $0x2780  }
0x1a5: {  	[tilespmem:s15], [sflag:$0x1] =	stream.indirect.gather [hbm4b:s5+s14], $0x1, s13, s14, $0xb8;
	[tilespmem:$0x3920] =	vst v63  }
0x1a6: {  	s9 =	simm.s32 $0xBB8;
	s10 =	simm.s32 $0x2800  }
0x1a7: {  	[tilespmem:s10], [sflag:$0x1] =	stream.indirect.gather [hbm4b:s5+s12], $0x1, s9, s12, $0xb8;
	[tilespmem:$0x3920] =	vst v63  }
0x1a8: {  	s13 =	simm.s32 $0xC38;
	s15 =	simm.s32 $0x2880  }
0x1a9: {  	[tilespmem:s15], [sflag:$0x1] =	stream.indirect.gather [hbm4b:s5+s14], $0x1, s13, s14, $0xb8;
	[tilespmem:$0x3920] =	vst v63  }
.LBB2_6:
0x1aa: {  	_ =	swait.ge [sflag:s30], $0x80  }
0x1ab: {  	[sflag:s30] =	ssyncset.done $0x0  }
0x1ac: {  	[sflag:s30] =	ssyncadd.s32 $0xFFFFFF80  }
0x1ad: {  	_ =	swait.ge [sflag:s30], $0x48  }
0x1ae: {  	[sflag:s30] =	ssyncset.done $0x0  }
0x1af: {  	[sflag:s30] =	ssyncadd.s32 $0xFFFFFFB8  }
0x1b0: {  	_ =	swait.ge [sflag:s30], $0x80  }
0x1b1: {  	[sflag:s30] =	ssyncset.done $0x0  }
0x1b2: {  	[sflag:s30] =	ssyncadd.s32 $0xFFFFFF80  }
0x1b3: {  	_ =	swait.ge [sflag:s30], $0x48  }
0x1b4: {  	[sflag:s30] =	ssyncset.done $0x0  }
0x1b5: {  	[sflag:s30] =	ssyncadd.s32 $0xFFFFFFB8  }
0x1b6: {  	_ =	swait.ge [sflag:s30], $0x80  }
0x1b7: {  	[sflag:s30] =	ssyncset.done $0x0  }
0x1b8: {  	[sflag:s30] =	ssyncadd.s32 $0xFFFFFF80  }
0x1b9: {  	_ =	swait.ge [sflag:s30], $0x48  }
0x1ba: {  	[sflag:s30] =	ssyncset.done $0x0  }
0x1bb: {  	[sflag:s30] =	ssyncadd.s32 $0xFFFFFFB8  }
0x1bc: {  	_ =	swait.ge [sflag:s30], $0x80  }
0x1bd: {  	[sflag:s30] =	ssyncset.done $0x0  }
0x1be: {  	[sflag:s30] =	ssyncadd.s32 $0xFFFFFF80  }
0x1bf: {  	_ =	swait.ge [sflag:s30], $0x48  }
0x1c0: {  	[sflag:s30] =	ssyncset.done $0x0  }
0x1c1: {  	[sflag:s30] =	ssyncadd.s32 $0xFFFFFFB8  }
0x1c2: {  	_ =	swait.ge [sflag:s30], $0x80  }
0x1c3: {  	[sflag:s30] =	ssyncset.done $0x0  }
0x1c4: {  	[sflag:s30] =	ssyncadd.s32 $0xFFFFFF80  }
0x1c5: {  	_ =	swait.ge [sflag:s30], $0x48  }
0x1c6: {  	[sflag:s30] =	ssyncset.done $0x0  }
0x1c7: {  	[sflag:s30] =	ssyncadd.s32 $0xFFFFFFB8  }
0x1c8: {  	_ =	swait.ge [sflag:s30], $0x80  }
0x1c9: {  	[sflag:s30] =	ssyncset.done $0x0  }
0x1ca: {  	[sflag:s30] =	ssyncadd.s32 $0xFFFFFF80  }
0x1cb: {  	_ =	swait.ge [sflag:s30], $0x48  }
0x1cc: {  	[sflag:s30] =	ssyncset.done $0x0  }
0x1cd: {  	[sflag:s30] =	ssyncadd.s32 $0xFFFFFFB8  }
0x1ce: {  	_ =	swait.ge [sflag:s30], $0x80  }
0x1cf: {  	[sflag:s30] =	ssyncset.done $0x0  }
0x1d0: {  	[sflag:s30] =	ssyncadd.s32 $0xFFFFFF80  }
0x1d1: {  	_ =	swait.ge [sflag:s30], $0x48  }
0x1d2: {  	[sflag:s30] =	ssyncset.done $0x0  }
0x1d3: {  	[sflag:s30] =	ssyncadd.s32 $0xFFFFFFB8  }
0x1d4: {  	_ =	swait.ge [sflag:s30], $0x80  }
0x1d5: {  	[sflag:s30] =	ssyncset.done $0x0  }
0x1d6: {  	[sflag:s30] =	ssyncadd.s32 $0xFFFFFF80  }
0x1d7: {  	_ =	swait.ge [sflag:s30], $0x48  }
0x1d8: {  	[sflag:s30] =	ssyncset.done $0x0  }
0x1d9: {  	[sflag:s30] =	ssyncadd.s32 $0xFFFFFFB8  }
0x1da: {  	_ =	swait.ge [sflag:s30], $0x80  }
0x1db: {  	[sflag:s30] =	ssyncset.done $0x0  }
0x1dc: {  	[sflag:s30] =	ssyncadd.s32 $0xFFFFFF80  }
0x1dd: {  	_ =	swait.ge [sflag:s30], $0x48  }
0x1de: {  	[sflag:s30] =	ssyncset.done $0x0  }
0x1df: {  	[sflag:s30] =	ssyncadd.s32 $0xFFFFFFB8  }
0x1e0: {  	_ =	swait.ge [sflag:s30], $0x80  }
0x1e1: {  	[sflag:s30] =	ssyncset.done $0x0  }
0x1e2: {  	[sflag:s30] =	ssyncadd.s32 $0xFFFFFF80  }
0x1e3: {  	_ =	swait.ge [sflag:s30], $0x48  }
0x1e4: {  	[sflag:s30] =	ssyncset.done $0x0  }
0x1e5: {  	[sflag:s30] =	ssyncadd.s32 $0xFFFFFFB8  }
0x1e6: {  	_ =	swait.ge [sflag:s30], $0x80  }
0x1e7: {  	[sflag:s30] =	ssyncset.done $0x0  }
0x1e8: {  	[sflag:s30] =	ssyncadd.s32 $0xFFFFFF80  }
0x1e9: {  	_ =	swait.ge [sflag:s30], $0x48  }
0x1ea: {  	[sflag:s30] =	ssyncset.done $0x0  }
0x1eb: {  	[sflag:s30] =	ssyncadd.s32 $0xFFFFFFB8  }
0x1ec: {  	_ =	swait.ge [sflag:s30], $0x80  }
0x1ed: {  	[sflag:s30] =	ssyncset.done $0x0  }
0x1ee: {  	[sflag:s30] =	ssyncadd.s32 $0xFFFFFF80  }
0x1ef: {  	_ =	swait.ge [sflag:s30], $0x48  }
0x1f0: {  	[sflag:s30] =	ssyncset.done $0x0  }
0x1f1: {  	[sflag:s30] =	ssyncadd.s32 $0xFFFFFFB8  }
0x1f2: {  	_ =	swait.ge [sflag:s30], $0x80  }
0x1f3: {  	[sflag:s30] =	ssyncset.done $0x0  }
0x1f4: {  	[sflag:s30] =	ssyncadd.s32 $0xFFFFFF80  }
0x1f5: {  	_ =	swait.ge [sflag:s30], $0x48  }
0x1f6: {  	[sflag:s30] =	ssyncset.done $0x0  }
0x1f7: {  	[sflag:s30] =	ssyncadd.s32 $0xFFFFFFB8  }
0x1f8: {  	_ =	swait.ge [sflag:s30], $0x80  }
0x1f9: {  	[sflag:s30] =	ssyncset.done $0x0  }
0x1fa: {  	[sflag:s30] =	ssyncadd.s32 $0xFFFFFF80  }
0x1fb: {  	_ =	swait.ge [sflag:s30], $0x48  }
0x1fc: {  	[sflag:s30] =	ssyncset.done $0x0  }
0x1fd: {  	[sflag:s30] =	ssyncadd.s32 $0xFFFFFFB8  }
0x1fe: {  	_ =	swait.ge [sflag:s30], $0x80  }
0x1ff: {  	[sflag:s30] =	ssyncset.done $0x0  }
0x200: {  	[sflag:s30] =	ssyncadd.s32 $0xFFFFFF80  }
0x201: {  	_ =	swait.ge [sflag:s30], $0x48  }
0x202: {  	[sflag:s30] =	ssyncset.done $0x0  }
0x203: {  	[sflag:s30] =	ssyncadd.s32 $0xFFFFFFB8  }
0x204: {  	_ =	swait.ge [sflag:s30], $0x80  }
0x205: {  	[sflag:s30] =	ssyncset.done $0x0  }
0x206: {  	[sflag:s30] =	ssyncadd.s32 $0xFFFFFF80  }
0x207: {  	_ =	swait.ge [sflag:s30], $0x48  }
0x208: {  	[sflag:s30] =	ssyncset.done $0x0  }
0x209: {  	s6 =	simm.s32 $0x2960;
	[sflag:s30] =	ssyncadd.s32 $0xFFFFFFB8  }
0x20a: {  	v5 =	vld [tilespmem:s6+$0xFFFFFFA0]  }
0x20b: {  	v6 =	vld [tilespmem:s6+$0xFFFFFFB0]  }
0x20c: {  	v7 =	vld [tilespmem:s6+$0xFFFFFFC0]  }
0x20d: {  	v8 =	vld [tilespmem:s6+$0xFFFFFFD0]  }
0x20e: {  	v9 =	vld [tilespmem:s6+$0xFFFFFFE0]  }
0x20f: {  	v10 =	vld [tilespmem:s6+$0xFFFFFFF0]  }
0x210: {  	v11 =	vld [tilespmem:s6+$0x0];
	v5 =	vadd.f32 $0.0e+00, v5;
	v6 =	vadd.f32 $0.0e+00, v6  }
0x211: {  	v12 =	vld [tilespmem:s6+$0x10]  }
0x212: {  	v5 =	vadd.f32 v7, v5;
	v6 =	vadd.f32 v8, v6;
	v7 =	vld [tilespmem:s6+$0x20]  }
0x213: {  	v8 =	vld [tilespmem:s6+$0x30]  }
0x214: {  	v5 =	vadd.f32 v9, v5;
	v6 =	vadd.f32 v10, v6;
	v9 =	vld [tilespmem:s6+$0x40]  }
0x215: {  	s15 =	simm.s32 $0x2A60;
	v10 =	vld [tilespmem:s6+$0x50]  }
0x216: {  	v13 =	vld [tilespmem:s15+$0xFFFFFFB0];
	v5 =	vadd.f32 v11, v5;
	v6 =	vadd.f32 v12, v6  }
0x217: {  	v11 =	vld [tilespmem:s6+$0x60]  }
0x218: {  	v12 =	vld [tilespmem:s15+$0xFFFFFFA0];
	v5 =	vadd.f32 v7, v5;
	v6 =	vadd.f32 v8, v6  }
0x219: {  	v7 =	vld [tilespmem:s15+$0xFFFFFFC0]  }
0x21a: {  	v8 =	vld [tilespmem:s15+$0xFFFFFFD0];
	v5 =	vadd.f32 v9, v5;
	v6 =	vadd.f32 v10, v6  }
0x21b: {  	v9 =	vld [tilespmem:s15+$0xFFFFFFE0]  }
0x21c: {  	v10 =	vld [tilespmem:s15+$0xFFFFFFF0];
	v5 =	vadd.f32 v6, v5  }
0x21d: {  	v14 =	vld [tilespmem:s15+$0x10];
	v11 =	vnsel vm0, $0x0, v11;
	v6 =	vadd.f32 $0.0e+00, v12;
	v12 =	vadd.f32 $0.0e+00, v13  }
0x21e: {  	v13 =	vld [tilespmem:s15+$0x0];
	v5 =	vadd.f32 v11, v5  }
0x21f: {  	v6 =	vadd.f32 v7, v6;
	v7 =	vadd.f32 v8, v12;
	v11 =	vld [tilespmem:s15+$0x20]  }
0x220: {  	v12 =	vld [tilespmem:s15+$0x30];
	v8 =	vperm.xlane v5, v0  }
0x221: {  	v15 =	vadd.f32 v9, v6;
	v10 =	vadd.f32 v10, v7;
	v7 =	vld [tilespmem:s15+$0x40]  }
0x222: {  	v9 =	vld [tilespmem:s15+$0x50];
	v6 =	vadd.f32 v5, v8  }
0x223: {  	s10 =	simm.s32 $0x2B60;
	v15 =	vadd.f32 v13, v15;
	v16 =	vadd.f32 v14, v10;
	v8 =	vld [tilespmem:s15+$0x60]  }
0x224: {  	s9 =	simm.s32 $0x0;
	v13 =	vld [tilespmem:s10+$0xFFFFFFA0];
	v10 =	vperm.xlane v6, v1  }
0x225: {  	s8 =	simm.s32 $0x2;
	s13 =	simm.s32 $0x3;
	s6 =	simm.s32 $0x1;
	v5 =	vimm.f32 $0.0e+00;
	v14 =	vld [tilespmem:s10+$0xFFFFFFB0];
	v11 =	vadd.f32 v11, v15;
	v12 =	vadd.f32 v12, v16  }
.LBB2_7:
0x226: {  	p0 =	sne.s32 s13, $0xF;
	v15 =	vld [tilespmem:s10+$0xFFFFFFC0];
	v6 =	vadd.f32 v6, v10  }
0x227: {  	v10 =	vld [tilespmem:s10+$0xFFFFFFD0];
	v7 =	vadd.f32 v7, v11;
	v9 =	vadd.f32 v9, v12  }
0x228: {  	v11 =	vld [tilespmem:s10+$0xFFFFFFE0];
	v12 =	vperm.xlane v6, v2  }
0x229: {  	v13 =	vadd.f32 $0.0e+00, v13;
	v16 =	vld [tilespmem:s10+$0xFFFFFFF0];
	v7 =	vadd.f32 v9, v7  }
0x22a: {  	v8 =	vnsel vm0, $0x0, v8;
	v9 =	vadd.f32 $0.0e+00, v14;
	v14 =	vld [tilespmem:s10+$0x0];
	v6 =	vadd.f32 v6, v12  }
0x22b: {  	v12 =	vadd.f32 v15, v13;
	v13 =	vld [tilespmem:s10+$0x10];
	v8 =	vadd.f32 v8, v7  }
0x22c: {  	v7 =	vadd.f32 v10, v9;
	v15 =	vld [tilespmem:s10+$0x20];
	v9 =	vperm.xlane v6, v3  }
0x22d: {  	v10 =	vadd.f32 v11, v12;
	v12 =	vld [tilespmem:s10+$0x30];
	v11 =	vperm.xlane v8, v0  }
.Ltmp2:
0x22e: {  	v18 =	vmov s9;
	s9 =	smov.u32 s6;
	s6 =	smov.u32 s8;
	v16 =	vadd.f32 v16, v7;
	v7 =	vld [tilespmem:s10+$0x40];
	v17 =	vadd.f32 v6, v9;
	(pc) =	sbr.rel @p0 .LBB2_7-.Ltmp2, $4  }
0x22f: {  	s8 =	smov.u32 s13;
	vm1 =	veq.s32 v18, v4;
	v9 =	vld [tilespmem:s10+$0x50];
	v6 =	vadd.f32 v8, v11  }
0x230: {  	v11 =	vadd.f32 v14, v10;
	v16 =	vadd.f32 v13, v16;
	v8 =	vld [tilespmem:s10+$0x60];
	s10 =	sadd.s32 $0x100, s10;
	v5 =	vsel vm1, v17, v5  }
0x231: {  	v13 =	vld [tilespmem:s10+$0xFFFFFFA0];
	v10 =	vperm.xlane v6, v1  }
0x232: {  	s13 =	sadd.s32 $0x1, s13;
	v11 =	vadd.f32 v15, v11;
	v14 =	vld [tilespmem:s10+$0xFFFFFFB0];
	v12 =	vadd.f32 v12, v16  }
0x233: {  	v15 =	vld [tilespmem:s10+$0xFFFFFFC0]  }
0x234: {  	v16 =	vld [tilespmem:s10+$0xFFFFFFD0]  }
0x235: {  	v17 =	vld [tilespmem:s10+$0xFFFFFFE0]  }
0x236: {  	v18 =	vld [tilespmem:s10+$0xFFFFFFF0]  }
0x237: {  	v19 =	vld [tilespmem:s10+$0x0];
	v13 =	vadd.f32 $0.0e+00, v13;
	v14 =	vadd.f32 $0.0e+00, v14  }
0x238: {  	v20 =	vld [tilespmem:s10+$0x10]  }
0x239: {  	v46 =	vld [tilespmem:s10+$0x20];
	v13 =	vadd.f32 v15, v13;
	v14 =	vadd.f32 v16, v14  }
0x23a: {  	v47 =	vld [tilespmem:s10+$0x30]  }
0x23b: {  	v48 =	vld [tilespmem:s10+$0x40];
	v13 =	vadd.f32 v17, v13;
	v14 =	vadd.f32 v18, v14  }
0x23c: {  	v49 =	vld [tilespmem:s10+$0x50]  }
0x23d: {  	v13 =	vadd.f32 v19, v13;
	v14 =	vadd.f32 v20, v14;
	_ =	sdelay $0x1  }
0x23e: {  	v50 =	vld [tilespmem:s10+$0x60];
	v13 =	vadd.f32 v46, v13;
	v14 =	vadd.f32 v47, v14  }
0x23f: {  	v7 =	vadd.f32 v7, v11;
	v9 =	vadd.f32 v9, v12  }
0x240: {  	v51 =	vadd.f32 v48, v13;
	v52 =	vadd.f32 v49, v14  }
0x241: {  	v7 =	vadd.f32 v9, v7  }
0x242: {  	v8 =	vnsel vm0, $0x0, v8;
	v53 =	vadd.f32 v52, v51  }
0x243: {  	v7 =	vadd.f32 v8, v7;
	v54 =	vnsel vm0, $0x0, v50  }
0x244: {  	v8 =	vadd.f32 v54, v53  }
0x245: {  	v55 =	vperm.xlane v7, v0  }
0x246: {  	v56 =	vperm.xlane v8, v0  }
0x247: {  	v7 =	vadd.f32 v7, v55  }
0x248: {  	v8 =	vadd.f32 v8, v56  }
0x249: {  	v6 =	vadd.f32 v6, v10;
	v9 =	vperm.xlane v7, v1  }
0x24a: {  	v57 =	vperm.xlane v8, v1  }
0x24b: {  	v58 =	vperm.xlane v6, v2;
	v7 =	vadd.f32 v7, v9  }
0x24c: {  	v8 =	vadd.f32 v8, v57  }
0x24d: {  	v6 =	vadd.f32 v6, v58;
	v9 =	vperm.xlane v7, v2  }
0x24e: {  	v10 =	vperm.xlane v8, v2  }
0x24f: {  	v11 =	vperm.xlane v6, v3;
	v7 =	vadd.f32 v7, v9  }
0x250: {  	v8 =	vadd.f32 v8, v10  }
0x251: {  	v59 =	vmov s9;
	v6 =	vadd.f32 v6, v11;
	v60 =	vperm.xlane v7, v3  }
0x252: {  	v62 =	vld [tilespmem:$0x3900];
	vm1 =	veq.s32 v59, v4;
	v61 =	vperm.xlane v8, v3  }
0x253: {  	v5 =	vsel vm1, v6, v5;
	v6 =	vadd.f32 v7, v60;
	v7 =	vmov s6  }
0x254: {  	v63 =	vmov s8;
	vm1 =	veq.s32 v7, v4;
	v7 =	vadd.f32 v8, v61  }
0x255: {  	v5 =	vsel vm1, v6, v5;
	vm1 =	veq.s32 v63, v4  }
0x256: {  	v5 =	vsel vm1, v7, v5  }
0x257: {  	v5 =	vadd.f32 v62, v5;
	_ =	sdelay $0x1  }
0x258: {  	v5 =	vsub.f32 $0.0e+00, v5;
	_ =	sdelay $0x1  }
0x259: {  	v5 =	vmul.f32 $1.442695020e+00, v5;
	_ =	sdelay $0x1  }
0x25a: {  	(erf) = vpow2.f32 v5;
	_ =	sdelay $0x8  }
0x25b: {  	v5 =	vpop (erf)  }
0x25c: {  	v5 =	vadd.f32 $1.000000000e+00, v5;
	_ =	sdelay $0x1  }
0x25d: {  	(erf) = vrcp.f32 v5;
	_ =	sdelay $0x8  }
0x25e: {  	v5 =	vpop (erf)  }
0x25f: {  	v5 =	vmul.f32 $1.000000000e+04, v5;
	_ =	sdelay $0x1  }
0x260: {  	v5 =	vadd.f32 $5.000000000e-01, v5;
	_ =	sdelay $0x1  }
0x261: {  	v5 =	vtrunc.f32 v5  }
0x262: {  	v5 =	vcvt.f32.s32 v5;
	_ =	sdelay $0x1  }
0x263: {  	v5 =	vcvt.s32.f32 v5;
	_ =	sdelay $0x1  }
0x264: {  	s2 =	sshll.u32 s2, $0x1;
	s0 =	sadd.s32 $0x1, s0;
	v5 =	vmul.f32 $9.999999740e-05, v5  }
0x265: {  	s2 =	sand.u32 $0x1FFFFFFE, s2;
	p0 =	sne.s32 s0, $0x10  }
.Ltmp3:
0x266: {  	s2 =	sadd.s32 s3, s2;
	[tilespmem:$0x3910] =	vst v5;
	(pc) =	sbr.rel @p0 .LBB2_2-.Ltmp3, $4  }
0x267: {  	[hbm4b:s2+s4] =	stream.linear.scatter [tilespmem:s29], [sflag:$0x3], $0x10, $0x38;
	[tilespmem:$0x3920] =	vst v63  }
0x268: {  	_ =	swait.ge [sflag:s11], $0x10  }
0x269: {  	[sflag:s11] =	ssyncset.done $0x0  }
0x26a: {  	[sflag:s11] =	ssyncadd.s32 $0xFFFFFFF0  }
0x26b: {  	s2 =	rddreg [dreg:$0x7]  }
0x26c: {  	s0 =	rddreg [dreg:$0x6];
	s2 =	sadd.s32 $0x1, s2  }
0x26d: {  	p0 =	sne.s32 s2, s0  }
.Ltmp4:
0x26e: {  	_ = 	snop;
	(pc) =	sbr.rel @p0 .LBB2_1-.Ltmp4, $1  }
0x26f: {  	_ =	sdelay $0x3  }
0x270: {  	_ =	sfence.sel $0x180000  }
0x271: {  	[bflag:$0x0] =	sbarrier.arrive $0xFFFF  }
0x272: {  	_ =	strace $0x90000047  }
0x273: {  	s0 =	stileid.u32;
	[bflag:$0x2] =	sbarrier.arrive $0xFFFF  }
0x274: {  	p0 =	sne.s32 s0, $0x0;
	s0 =	rddreg [dreg:$0x3]  }
0x275: {  	s0 =	sadd.s32 @!p0 $0x100000, s0  }
0x276: {  	[sflag:s0] =	ssyncadd.tile.s32 @!p0 $0x1;
	_ =	shalt  }
.Lfunc_end2:
_tile_overlayer_lowered:
.L_overlay_start_2:
0x277: {  	(tag) =	ssettag $0x2  }
0x278: {  	s0 =	rddreg [dreg:$0x0];
	s2 =	stileid.u32  }
0x279: {  	s1 =	rddreg [dreg:$0x1];
	p0 =	sne.s32 s2, $0x0  }
0x27a: {  	s3 =	rddreg [dreg:$0x2];
	[bflag:$0x3] =	sbarrier.arrive $0xFFFF;
	s2 =	simm.s32 @!p0 $0x1C03  }
0x27b: {  	[timem:s3], [sflag:s2] =	dma.local @!p0 [hbm:s0], s1  }
0x27c: {  	s0 =	simm.s32 @!p0 $0x3  }
0x27d: {  	_ =	swait.ge @!p0 [sflag:s0], s1  }
0x27e: {  	s1 =	ssub.s32 @!p0 $0x0, s1;
	[sflag:s0] =	ssyncset.done @!p0 $0x0  }
0x27f: {  	[sflag:s0] =	ssyncadd.s32 @!p0 s1  }
0x280: {  	[bflag:$0x3] =	sbarrier.arrive $0xFFFF  }
0x281: {  	_ =	shalt  }

</sc_bundles>
